<compile_context>
chip_gen: v7x
topology: tpu7x:2x2x1
jax: 0.10.2.dev20260603
libtpu: 0.0.44.dev20260713+nightly
codegen_flags: <defaults>
</compile_context>

<pallas_src>
import functools

import jax
import jax.numpy as jnp
from jax import lax
from jax.experimental import pallas as pl
from jax.experimental.pallas import tpu as pltpu
from jax.experimental.pallas import tpu_sc as plsc

TOP_K = 200
L = 16
NBINS = 4096
CAP = 512
CANDBUF = CAP + L
SELBUF = 256
BLOCK = 25
ZH_UNROLL = 8
PB_UNROLL = 5
BLK_UNROLL = 5


def _topk_pool_kernel(B, V, D, tfidf_arr, embedding):
    NW = 32
    RPW = B // NW
    NV = V // L
    DV = D // L
    NBLK = NV // BLOCK
    mesh = plsc.VectorSubcoreMesh(core_axis_name="c", subcore_axis_name="s")

    @functools.partial(
        pl.kernel,
        mesh=mesh,
        out_type=jax.ShapeDtypeStruct((B, D), jnp.float32),
        compiler_params=pltpu.CompilerParams(needs_layout_passes=False),
        scratch_types=[
            pltpu.VMEM((V,), jnp.float32),
            pltpu.VMEM((NBINS,), jnp.float32),
            pltpu.VMEM((NBLK * L,), jnp.float32),
            pltpu.VMEM((CANDBUF,), jnp.int32),
            pltpu.VMEM((NBLK * L + L,), jnp.int32),
            pltpu.VMEM((2 * SELBUF,), jnp.float32),
            pltpu.VMEM((2 * SELBUF,), jnp.int32),
            pltpu.VMEM((128, D), jnp.float32),
            pltpu.VMEM((D,), jnp.float32),
            pltpu.SemaphoreType.DMA,
            pltpu.SemaphoreType.DMA,
            pltpu.SemaphoreType.DMA,
        ],
    )
    def body(tf_hbm, emb_hbm, out_hbm, row_v, hist_v, bmax_v, cidx_v, flag_v,
             selw_v, selg_v, rows_v, outst_v, sem0, sem1, sem_row):
        wid = lax.axis_index("s") * 2 + lax.axis_index("c")
        r0 = wid * RPW
        kf = jnp.float32(TOP_K)
        k_spl = jnp.full((L,), TOP_K, jnp.int32)
        ones = jnp.ones((L,), jnp.float32)
        zeros_f = jnp.zeros((L,), jnp.float32)
        zeros_i = jnp.zeros((L,), jnp.int32)
        lane_iota = lax.iota(jnp.int32, L)
        scale = jnp.float32(NBINS)

        def bin_of(v):
            b = (v * scale).astype(jnp.int32)
            return jnp.minimum(jnp.maximum(b, 0), NBINS - 1)

        def popcnt(mask):
            return plsc.all_reduce_population_count(mask)

        def zero_ids(i, c):
            cidx_v[pl.ds(i * L, L)] = zeros_i
            return c
        lax.fori_loop(0, CANDBUF // L, zero_ids, 0)

        def fill_sel(i, c):
            selw_v[pl.ds(i * L, L)] = zeros_f
            selg_v[pl.ds(i * L, L)] = zeros_i
            return c
        lax.fori_loop(0, 2 * SELBUF // L, fill_sel, 0)

        def acc_out(r_prev, off_prev):
            accs = tuple(jnp.zeros((L,), jnp.float32) for _ in range(DV))
            with jax.named_scope('ph_gwait'):
                pltpu.make_async_copy(
                    emb_hbm.at[selg_v.at[pl.ds(off_prev, 128)]],
                    rows_v, sem0).wait()

            def acc_step0(k2, a):
                w = plsc.load_gather(
                    selw_v, [jnp.full((L,), off_prev + k2, jnp.int32)])
                return tuple(a[d] + w * rows_v[k2, pl.ds(d * L, L)]
                             for d in range(DV))
            with jax.named_scope('ph_acc'):
                accs = lax.fori_loop(0, 128, acc_step0, accs)

            with jax.named_scope('ph_gwait2'):
                pltpu.async_copy(
                    emb_hbm.at[selg_v.at[pl.ds(off_prev + 128, TOP_K - 128)]],
                    rows_v.at[pl.ds(0, TOP_K - 128)], sem1).wait()

            def acc_step1(k2, a):
                w = plsc.load_gather(
                    selw_v, [jnp.full((L,), off_prev + 128 + k2, jnp.int32)])
                return tuple(a[d] + w * rows_v[k2, pl.ds(d * L, L)]
                             for d in range(DV))
            with jax.named_scope('ph_acc'):
                accs = lax.fori_loop(0, TOP_K - 128, acc_step1, accs)

            inv_k = jnp.float32(1.0 / TOP_K)
            with jax.named_scope('ph_out'):
                for d in range(DV):
                    outst_v[pl.ds(d * L, L)] = accs[d] * inv_k
                pltpu.sync_copy(outst_v, out_hbm.at[r_prev])

        pltpu.async_copy(tf_hbm.at[r0], row_v, sem_row)

        def do_row(r_local, carry):
            r = r0 + r_local
            with jax.named_scope('ph_dma_row'):
                pltpu.make_async_copy(tf_hbm.at[r], row_v, sem_row).wait()

            def zero_hist(i, c):
                for u in range(ZH_UNROLL):
                    hist_v[pl.ds((i * ZH_UNROLL + u) * L, L)] = zeros_f
                return c
            with jax.named_scope('ph_zero_hist'):
                lax.fori_loop(0, NBINS // (L * ZH_UNROLL), zero_hist, 0)

            def bmax_step(i, c):
                base = i * BLOCK
                m = row_v[pl.ds(base * L, L)]
                for u in range(1, BLOCK):
                    m = jnp.maximum(m, row_v[pl.ds((base + u) * L, L)])
                bmax_v[pl.ds(i * L, L)] = m
                return c
            with jax.named_scope('ph_bmax'):
                lax.fori_loop(0, NBLK, bmax_step, 0)

            def hist_step(i, c):
                for u in range(PB_UNROLL):
                    bm = bmax_v[pl.ds((i * PB_UNROLL + u) * L, L)]
                    plsc.addupdate_scatter(hist_v, [bin_of(bm)], ones)
                return c
            with jax.named_scope('ph_hist'):
                lax.fori_loop(0, NBLK // PB_UNROLL, hist_step, 0)

            def wcond(st):
                _, above = st
                return above < kf

            def wbody(st):
                j, above = st
                s = jnp.sum(hist_v[pl.ds(j * L, L)])
                return (j - 1, above + s)

            with jax.named_scope('ph_scan'):
                jend, above_end = lax.while_loop(
                    wcond, wbody, (jnp.int32(NBINS // L - 1), jnp.float32(0.0)))
            jc = jend + 1
            h = hist_v[pl.ds(jc * L, L)]
            above_prev = above_end - jnp.sum(h)
            sfx = lax.rev(plsc.cumsum(lax.rev(h, (0,))), (0,))
            in_top = (above_prev + sfx) >= kf
            b_star = jc * L + jnp.sum(in_top.astype(jnp.int32)) - 1
            edge = jnp.full((L,), b_star.astype(jnp.float32)
                            * jnp.float32(1.0 / NBINS), jnp.float32)

            def flag_step(i, fp):
                for u in range(BLK_UNROLL):
                    q = i * BLK_UNROLL + u
                    flags = bmax_v[pl.ds(q * L, L)] >= edge
                    plsc.store_compressed(
                        flag_v.at[pl.ds(fp, L)], q * L + lane_iota, mask=flags)
                    fp = fp + jnp.sum(flags.astype(jnp.int32))
                return fp

            def col_step(j, ptr):
                e = plsc.load_gather(flag_v, [jnp.full((L,), j, jnp.int32)])
                idx1 = ((e >> 4) * (BLOCK * L) + (e & (L - 1))
                        + lane_iota * L)
                v1 = plsc.load_gather(row_v, [idx1])
                m1 = v1 >= edge
                pc = jnp.minimum(ptr, CAP)
                plsc.store_compressed(cidx_v.at[pl.ds(pc, L)], idx1, mask=m1)
                ptr = pc + jnp.sum(m1.astype(jnp.int32))
                idx2 = idx1 + L * L
                v2 = plsc.load_gather(row_v, [jnp.minimum(idx2, V - 1)])
                m2 = (v2 >= edge) & (lane_iota < (BLOCK - L))
                pc = jnp.minimum(ptr, CAP)
                plsc.store_compressed(cidx_v.at[pl.ds(pc, L)], idx2, mask=m2)
                return pc + jnp.sum(m2.astype(jnp.int32))

            with jax.named_scope('ph_collect'):
                n_flag = lax.fori_loop(0, NBLK // BLK_UNROLL, flag_step,
                                       jnp.int32(0))
                c_cnt = lax.fori_loop(0, n_flag, col_step, jnp.int32(0))
            c_spl = jnp.full((L,), c_cnt, jnp.int32)
            nvc = (c_cnt + (L - 1)) >> 4

            def count_ge(t_spl):
                def cg(q, acc):
                    pos = q * L + lane_iota
                    ids = cidx_v[pl.ds(q * L, L)]
                    vals = plsc.load_gather(row_v, [ids])
                    bits = plsc.bitcast(vals, jnp.int32)
                    ok = (bits >= t_spl) & (pos < c_spl)
                    return acc + popcnt(ok)
                return lax.fori_loop(0, nvc, cg, zeros_i)

            def bs_step(_, st):
                lo, hi = st
                mid = lo + ((hi - lo + 1) >> 1)
                take = count_ge(mid) >= k_spl
                return (jnp.where(take, mid, lo), jnp.where(take, hi, mid - 1))

            with jax.named_scope('ph_bsearch'):
                u_bits, _ = lax.fori_loop(
                    0, 31, bs_step,
                    (zeros_i, jnp.full((L,), 0x7F7FFFFF, jnp.int32)))
                n_tie_skip = count_ge(u_bits) - k_spl

            off = (r_local & 1) * SELBUF

            def sel_step(q, st):
                ptr2, ties = st
                pos = q * L + lane_iota
                ids = cidx_v[pl.ds(q * L, L)]
                vals = plsc.load_gather(row_v, [ids])
                bits = plsc.bitcast(vals, jnp.int32)
                valid = pos < c_spl
                gt = (bits > u_bits) & valid
                tie = (bits == u_bits) & valid
                trank = ties + plsc.cumsum(tie.astype(jnp.int32))
                inc = gt | (tie & (trank > n_tie_skip))
                rank = plsc.cumsum(inc.astype(jnp.int32))
                addr = off + ptr2 + rank - 1
                plsc.store_scatter(selw_v, [addr], vals, mask=inc)
                plsc.store_scatter(selg_v, [addr], ids, mask=inc)
                return (ptr2 + popcnt(inc), ties + popcnt(tie))

            @pl.when(r_local > 0)
            def _():
                acc_out(r - 1, SELBUF - off)

            with jax.named_scope('ph_select'):
                lax.fori_loop(0, nvc, sel_step, (zeros_i, zeros_i))

            rnext = jnp.minimum(r + 1, r0 + RPW - 1)
            pltpu.async_copy(tf_hbm.at[rnext], row_v, sem_row)
            pltpu.async_copy(
                emb_hbm.at[selg_v.at[pl.ds(off, 128)]], rows_v, sem0)
            return carry

        lax.fori_loop(0, RPW, do_row, 0)
        acc_out(r0 + RPW - 1, ((RPW - 1) & 1) * SELBUF)
        pltpu.make_async_copy(tf_hbm.at[r0 + RPW - 1], row_v, sem_row).wait()

    return body(tfidf_arr, embedding)


@jax.jit
def kernel(tfidf_arr, embedding):
    B, V = tfidf_arr.shape
    _, D = embedding.shape
    return _topk_pool_kernel(B, V, D, tfidf_arr, embedding)

# --- scband reference (transcript-rebuilt; emitter-appended) ---
"""Pipeline reference for scband-tfidfbased-vec-8847632630387 (READ-ONLY COPY).

The authoritative reference and input builder live on the scoring server;
editing this copy changes nothing except your own understanding.
"""

import jax, jax.numpy as jnp
import numpy as np

TOP_K = 200

def setup_inputs(seed: int = 0) -> dict:
    key = jax.random.key(seed)
    k1, k2 = jax.random.split(key)
    tfidf_arr = jax.random.uniform(k1, (1024, 100000), dtype=jnp.float32)
    embedding = jax.random.normal(k2, (100000, 128), dtype=jnp.float32)
    return {"tfidf_arr": tfidf_arr, "embedding": embedding}

def reference(tfidf_arr, embedding):
    # torch: sort_vals, sort_idxs = tfidf_arr.sort(dim=1)  (ascending)
    sort_vals = jnp.sort(tfidf_arr, axis=1)
    sort_idxs = jnp.argsort(tfidf_arr, axis=1)
    token_ids = sort_idxs[:, -TOP_K:]          # [B, K] int
    weights = sort_vals[:, -TOP_K:][..., None]  # [B, K, 1]
    X = jnp.take(embedding, token_ids, axis=0)  # [B, K, D] gather
    sent_vec = (weights * X).mean(axis=1)       # [B, D]
    return sent_vec

if __name__ == "__main__":
    import jax
    _d = setup_inputs()
    print(jax.jit(kernel)(*tuple(_d.values())))

</pallas_src>

<mosaic_0001>
#map = affine_map<(d0, d1) -> (0, 0)>
module attributes {stable_mosaic.version = 14 : i64} {
  func.func @body(%arg0: i32, %arg1: i32, %arg2: memref<1024x100000xf32, #tpu.memory_space<hbm>>, %arg3: memref<100000x128xf32, #tpu.memory_space<hbm>>, %arg4: memref<1024x128xf32, #tpu.memory_space<hbm>>, %arg5: memref<100000xf32, #tpu.memory_space<vmem>>, %arg6: memref<4096xf32, #tpu.memory_space<vmem>>, %arg7: memref<4000xf32, #tpu.memory_space<vmem>>, %arg8: memref<528xi32, #tpu.memory_space<vmem>>, %arg9: memref<4016xi32, #tpu.memory_space<vmem>>, %arg10: memref<512xf32, #tpu.memory_space<vmem>>, %arg11: memref<512xi32, #tpu.memory_space<vmem>>, %arg12: memref<128x128xf32, #tpu.memory_space<vmem>>, %arg13: memref<128xf32, #tpu.memory_space<vmem>>, %arg14: memref<!tpu.dma_semaphore, #tpu.memory_space<semaphore_mem>>, %arg15: memref<!tpu.dma_semaphore, #tpu.memory_space<semaphore_mem>>, %arg16: memref<!tpu.dma_semaphore, #tpu.memory_space<semaphore_mem>>) attributes {dimension_semantics = [#tpu.dimension_semantics<core_parallel>, #tpu.dimension_semantics<subcore_parallel>], iteration_bounds = array<i64: 2, 16>, scalar_prefetch = 0 : i64, scratch_operands = 12 : i64, tpu.core_type = #tpu.core_type<sc_vector_subcore>, window_params = [{transform_indices = #map}, {transform_indices = #map}, {transform_indices = #map}]} {
    %mul3A = arith.constant 2 : i32
    %mul3A_0 = arith.muli %arg1, %mul3A : i32
    %add3A = arith.addi %mul3A_0, %arg0 : i32
    %mul3A_1 = arith.constant 32 : i32
    %mul3A_2 = arith.muli %add3A, %mul3A_1 : i32
    %broadcast_in_dim3A = arith.constant 200 : i32
    %broadcast_in_dim3A_3 = vector.broadcast %broadcast_in_dim3A : i32 to vector<16xi32>
    %broadcast_in_dim3A_4 = arith.constant 1.000000e+00 : f32
    %broadcast_in_dim3A_5 = vector.broadcast %broadcast_in_dim3A_4 : f32 to vector<16xf32>
    %broadcast_in_dim3A_6 = arith.constant 0.000000e+00 : f32
    %broadcast_in_dim3A_7 = vector.broadcast %broadcast_in_dim3A_6 : f32 to vector<16xf32>
    %broadcast_in_dim3A_8 = arith.constant 0 : i32
    %broadcast_in_dim3A_9 = vector.broadcast %broadcast_in_dim3A_8 : i32 to vector<16xi32>
    %iota3A = tpu.iota {dimensions = array<i32: 0>} : vector<16xi32>
    %scan3A = arith.constant 0 : i32
    %scan3A_10 = arith.constant 0 : i32
    %scan3A_11 = arith.constant 33 : i32
    %scan3A_12 = arith.addi %scan3A_10, %scan3A_11 : i32
    %scan3A_13 = arith.constant 1 : i32
    scf.for %scan3A_134 = %scan3A_10 to %scan3A_12 step %scan3A_13  : i32 {
      %mul3A_135 = arith.constant 16 : i32
      %mul3A_136 = arith.muli %scan3A_134, %mul3A_135 : i32
      %swap3A_137 = arith.index_cast %mul3A_136 : i32 to index
      %swap3A_138 = tpu.vector_load %arg8[%swap3A_137] {strides = array<i32>} : memref<528xi32, #tpu.memory_space<vmem>>, vector<16xi32>,
      tpu.vector_store %arg8[%swap3A_137], %broadcast_in_dim3A_9 {strides = array<i32>} : memref<528xi32, #tpu.memory_space<vmem>>, vector<16xi32>,
    }
    %scan3A_14 = arith.constant 33 : i32
    %scan3A_15 = arith.constant 0 : i32
    %scan3A_16 = arith.constant 0 : i32
    %scan3A_17 = arith.constant 32 : i32
    %scan3A_18 = arith.addi %scan3A_16, %scan3A_17 : i32
    %scan3A_19 = arith.constant 1 : i32
    scf.for %scan3A_134 = %scan3A_16 to %scan3A_18 step %scan3A_19  : i32 {
      %mul3A_135 = arith.constant 16 : i32
      %mul3A_136 = arith.muli %scan3A_134, %mul3A_135 : i32
      %swap3A_137 = arith.index_cast %mul3A_136 : i32 to index
      %swap3A_138 = tpu.vector_load %arg10[%swap3A_137] {strides = array<i32>} : memref<512xf32, #tpu.memory_space<vmem>>, vector<16xf32>,
      tpu.vector_store %arg10[%swap3A_137], %broadcast_in_dim3A_7 {strides = array<i32>} : memref<512xf32, #tpu.memory_space<vmem>>, vector<16xf32>,
      %mul3A_139 = arith.constant 16 : i32
      %mul3A_140 = arith.muli %scan3A_134, %mul3A_139 : i32
      %swap3A_141 = arith.index_cast %mul3A_140 : i32 to index
      %swap3A_142 = tpu.vector_load %arg11[%swap3A_141] {strides = array<i32>} : memref<512xi32, #tpu.memory_space<vmem>>, vector<16xi32>,
      tpu.vector_store %arg11[%swap3A_141], %broadcast_in_dim3A_9 {strides = array<i32>} : memref<512xi32, #tpu.memory_space<vmem>>, vector<16xi32>,
    }
    %scan3A_20 = arith.constant 32 : i32
    %dma_start3A = arith.constant 0 : i32
    %dma_start3A_21 = tpu.memref_slice %arg2[%mul3A_2, %dma_start3A] : memref<1024x100000xf32, #tpu.memory_space<hbm>> -> memref<1x100000xf32, #tpu.memory_space<hbm>>
    %dma_start3A_22 = tpu.memref_squeeze %dma_start3A_21 : memref<1x100000xf32, #tpu.memory_space<hbm>> -> memref<100000xf32, #tpu.memory_space<hbm>>
    %dma_start3A_23 = arith.constant 0 : i32
    %dma_start3A_24 = tpu.memref_slice %arg2[%mul3A_2, %dma_start3A_23] : memref<1024x100000xf32, #tpu.memory_space<hbm>> -> memref<1x100000xf32, #tpu.memory_space<hbm>>
    %dma_start3A_25 = tpu.memref_squeeze %dma_start3A_24 : memref<1x100000xf32, #tpu.memory_space<hbm>> -> memref<100000xf32, #tpu.memory_space<hbm>>
    tpu.enqueue_dma source(%dma_start3A_25 : memref<100000xf32, #tpu.memory_space<hbm>>) target(%arg5 : memref<100000xf32, #tpu.memory_space<vmem>>) target_semaphore(%arg16 : memref<!tpu.dma_semaphore, #tpu.memory_space<semaphore_mem>>)
    %scan3A_26 = arith.constant 0 : i32
    %scan3A_27 = arith.constant 4.096000e+03 : f32
    %scan3A_28 = arith.constant 2.000000e+02 : f32
    %scan3A_29 = arith.constant 0 : i32
    %scan3A_30 = arith.constant 32 : i32
    %scan3A_31 = arith.addi %scan3A_29, %scan3A_30 : i32
    %scan3A_32 = arith.constant 1 : i32
    scf.for %scan3A_134 = %scan3A_29 to %scan3A_31 step %scan3A_32  : i32 {
      %add3A_135 = arith.addi %mul3A_2, %scan3A_134 : i32
      "tpu.trace_start"() <{level = 10 : i32, message = "ph_dma_row"}> : () -> ()
      %dma_wait3A_136 = arith.constant 0 : i32
      %dma_wait3A_137 = tpu.memref_slice %arg2[%add3A_135, %dma_wait3A_136] : memref<1024x100000xf32, #tpu.memory_space<hbm>> -> memref<1x100000xf32, #tpu.memory_space<hbm>>
      %dma_wait3A_138 = tpu.memref_squeeze %dma_wait3A_137 : memref<1x100000xf32, #tpu.memory_space<hbm>> -> memref<100000xf32, #tpu.memory_space<hbm>>
      %dma_wait3A_139 = arith.constant 0 : i32
      %dma_wait3A_140 = tpu.memref_slice %arg2[%add3A_135, %dma_wait3A_139] : memref<1024x100000xf32, #tpu.memory_space<hbm>> -> memref<1x100000xf32, #tpu.memory_space<hbm>>
      %dma_wait3A_141 = tpu.memref_squeeze %dma_wait3A_140 : memref<1x100000xf32, #tpu.memory_space<hbm>> -> memref<100000xf32, #tpu.memory_space<hbm>>
      tpu.wait_dma2 semaphore(%arg16 : memref<!tpu.dma_semaphore, #tpu.memory_space<semaphore_mem>>) src(%dma_wait3A_141 : memref<100000xf32, #tpu.memory_space<hbm>>) dst(%arg5 : memref<100000xf32, #tpu.memory_space<vmem>>)
      "tpu.trace_stop"() : () -> ()
      "tpu.trace_start"() <{level = 10 : i32, message = "ph_zero_hist"}> : () -> ()
      %scan3A_142 = arith.constant 0 : i32
      %scan3A_143 = arith.constant 0 : i32
      %scan3A_144 = arith.constant 32 : i32
      %scan3A_145 = arith.addi %scan3A_143, %scan3A_144 : i32
      %scan3A_146 = arith.constant 1 : i32
      scf.for %scan3A_274 = %scan3A_143 to %scan3A_145 step %scan3A_146  : i32 {
        %mul3A_275 = arith.constant 8 : i32
        %mul3A_276 = arith.muli %scan3A_274, %mul3A_275 : i32
        %add3A_277 = arith.constant 0 : i32
        %add3A_278 = arith.addi %mul3A_276, %add3A_277 : i32
        %mul3A_279 = arith.constant 16 : i32
        %mul3A_280 = arith.muli %add3A_278, %mul3A_279 : i32
        %swap3A_281 = arith.index_cast %mul3A_280 : i32 to index
        %swap3A_282 = tpu.vector_load %arg6[%swap3A_281] {strides = array<i32>} : memref<4096xf32, #tpu.memory_space<vmem>>, vector<16xf32>,
        tpu.vector_store %arg6[%swap3A_281], %broadcast_in_dim3A_7 {strides = array<i32>} : memref<4096xf32, #tpu.memory_space<vmem>>, vector<16xf32>,
        %mul3A_283 = arith.constant 8 : i32
        %mul3A_284 = arith.muli %scan3A_274, %mul3A_283 : i32
        %add3A_285 = arith.constant 1 : i32
        %add3A_286 = arith.addi %mul3A_284, %add3A_285 : i32
        %mul3A_287 = arith.constant 16 : i32
        %mul3A_288 = arith.muli %add3A_286, %mul3A_287 : i32
        %swap3A_289 = arith.index_cast %mul3A_288 : i32 to index
        %swap3A_290 = tpu.vector_load %arg6[%swap3A_289] {strides = array<i32>} : memref<4096xf32, #tpu.memory_space<vmem>>, vector<16xf32>,
        tpu.vector_store %arg6[%swap3A_289], %broadcast_in_dim3A_7 {strides = array<i32>} : memref<4096xf32, #tpu.memory_space<vmem>>, vector<16xf32>,
        %mul3A_291 = arith.constant 8 : i32
        %mul3A_292 = arith.muli %scan3A_274, %mul3A_291 : i32
        %add3A_293 = arith.constant 2 : i32
        %add3A_294 = arith.addi %mul3A_292, %add3A_293 : i32
        %mul3A_295 = arith.constant 16 : i32
        %mul3A_296 = arith.muli %add3A_294, %mul3A_295 : i32
        %swap3A_297 = arith.index_cast %mul3A_296 : i32 to index
        %swap3A_298 = tpu.vector_load %arg6[%swap3A_297] {strides = array<i32>} : memref<4096xf32, #tpu.memory_space<vmem>>, vector<16xf32>,
        tpu.vector_store %arg6[%swap3A_297], %broadcast_in_dim3A_7 {strides = array<i32>} : memref<4096xf32, #tpu.memory_space<vmem>>, vector<16xf32>,
        %mul3A_299 = arith.constant 8 : i32
        %mul3A_300 = arith.muli %scan3A_274, %mul3A_299 : i32
        %add3A_301 = arith.constant 3 : i32
        %add3A_302 = arith.addi %mul3A_300, %add3A_301 : i32
        %mul3A_303 = arith.constant 16 : i32
        %mul3A_304 = arith.muli %add3A_302, %mul3A_303 : i32
        %swap3A_305 = arith.index_cast %mul3A_304 : i32 to index
        %swap3A_306 = tpu.vector_load %arg6[%swap3A_305] {strides = array<i32>} : memref<4096xf32, #tpu.memory_space<vmem>>, vector<16xf32>,
        tpu.vector_store %arg6[%swap3A_305], %broadcast_in_dim3A_7 {strides = array<i32>} : memref<4096xf32, #tpu.memory_space<vmem>>, vector<16xf32>,
        %mul3A_307 = arith.constant 8 : i32
        %mul3A_308 = arith.muli %scan3A_274, %mul3A_307 : i32
        %add3A_309 = arith.constant 4 : i32
        %add3A_310 = arith.addi %mul3A_308, %add3A_309 : i32
        %mul3A_311 = arith.constant 16 : i32
        %mul3A_312 = arith.muli %add3A_310, %mul3A_311 : i32
        %swap3A_313 = arith.index_cast %mul3A_312 : i32 to index
        %swap3A_314 = tpu.vector_load %arg6[%swap3A_313] {strides = array<i32>} : memref<4096xf32, #tpu.memory_space<vmem>>, vector<16xf32>,
        tpu.vector_store %arg6[%swap3A_313], %broadcast_in_dim3A_7 {strides = array<i32>} : memref<4096xf32, #tpu.memory_space<vmem>>, vector<16xf32>,
        %mul3A_315 = arith.constant 8 : i32
        %mul3A_316 = arith.muli %scan3A_274, %mul3A_315 : i32
        %add3A_317 = arith.constant 5 : i32
        %add3A_318 = arith.addi %mul3A_316, %add3A_317 : i32
        %mul3A_319 = arith.constant 16 : i32
        %mul3A_320 = arith.muli %add3A_318, %mul3A_319 : i32
        %swap3A_321 = arith.index_cast %mul3A_320 : i32 to index
        %swap3A_322 = tpu.vector_load %arg6[%swap3A_321] {strides = array<i32>} : memref<4096xf32, #tpu.memory_space<vmem>>, vector<16xf32>,
        tpu.vector_store %arg6[%swap3A_321], %broadcast_in_dim3A_7 {strides = array<i32>} : memref<4096xf32, #tpu.memory_space<vmem>>, vector<16xf32>,
        %mul3A_323 = arith.constant 8 : i32
        %mul3A_324 = arith.muli %scan3A_274, %mul3A_323 : i32
        %add3A_325 = arith.constant 6 : i32
        %add3A_326 = arith.addi %mul3A_324, %add3A_325 : i32
        %mul3A_327 = arith.constant 16 : i32
        %mul3A_328 = arith.muli %add3A_326, %mul3A_327 : i32
        %swap3A_329 = arith.index_cast %mul3A_328 : i32 to index
        %swap3A_330 = tpu.vector_load %arg6[%swap3A_329] {strides = array<i32>} : memref<4096xf32, #tpu.memory_space<vmem>>, vector<16xf32>,
        tpu.vector_store %arg6[%swap3A_329], %broadcast_in_dim3A_7 {strides = array<i32>} : memref<4096xf32, #tpu.memory_space<vmem>>, vector<16xf32>,
        %mul3A_331 = arith.constant 8 : i32
        %mul3A_332 = arith.muli %scan3A_274, %mul3A_331 : i32
        %add3A_333 = arith.constant 7 : i32
        %add3A_334 = arith.addi %mul3A_332, %add3A_333 : i32
        %mul3A_335 = arith.constant 16 : i32
        %mul3A_336 = arith.muli %add3A_334, %mul3A_335 : i32
        %swap3A_337 = arith.index_cast %mul3A_336 : i32 to index
        %swap3A_338 = tpu.vector_load %arg6[%swap3A_337] {strides = array<i32>} : memref<4096xf32, #tpu.memory_space<vmem>>, vector<16xf32>,
        tpu.vector_store %arg6[%swap3A_337], %broadcast_in_dim3A_7 {strides = array<i32>} : memref<4096xf32, #tpu.memory_space<vmem>>, vector<16xf32>,
      }
      %scan3A_147 = arith.constant 32 : i32
      "tpu.trace_stop"() : () -> ()
      "tpu.trace_start"() <{level = 10 : i32, message = "ph_bmax"}> : () -> ()
      %scan3A_148 = arith.constant 0 : i32
      %scan3A_149 = arith.constant 0 : i32
      %scan3A_150 = arith.constant 250 : i32
      %scan3A_151 = arith.addi %scan3A_149, %scan3A_150 : i32
      %scan3A_152 = arith.constant 1 : i32
      scf.for %scan3A_274 = %scan3A_149 to %scan3A_151 step %scan3A_152  : i32 {
        %mul3A_275 = arith.constant 25 : i32
        %mul3A_276 = arith.muli %scan3A_274, %mul3A_275 : i32
        %mul3A_277 = arith.constant 16 : i32
        %mul3A_278 = arith.muli %mul3A_276, %mul3A_277 : i32
        %get3A_279 = arith.index_cast %mul3A_278 : i32 to index
        %get3A_280 = tpu.vector_load %arg5[%get3A_279] {strides = array<i32>} : memref<100000xf32, #tpu.memory_space<vmem>>, vector<16xf32>,
        %add3A_281 = arith.constant 1 : i32
        %add3A_282 = arith.addi %mul3A_276, %add3A_281 : i32
        %mul3A_283 = arith.constant 16 : i32
        %mul3A_284 = arith.muli %add3A_282, %mul3A_283 : i32
        %get3A_285 = arith.index_cast %mul3A_284 : i32 to index
        %get3A_286 = tpu.vector_load %arg5[%get3A_285] {strides = array<i32>} : memref<100000xf32, #tpu.memory_space<vmem>>, vector<16xf32>,
        %max3A = arith.maximumf %get3A_280, %get3A_286 : vector<16xf32>
        %add3A_287 = arith.constant 2 : i32
        %add3A_288 = arith.addi %mul3A_276, %add3A_287 : i32
        %mul3A_289 = arith.constant 16 : i32
        %mul3A_290 = arith.muli %add3A_288, %mul3A_289 : i32
        %get3A_291 = arith.index_cast %mul3A_290 : i32 to index
        %get3A_292 = tpu.vector_load %arg5[%get3A_291] {strides = array<i32>} : memref<100000xf32, #tpu.memory_space<vmem>>, vector<16xf32>,
        %max3A_293 = arith.maximumf %max3A, %get3A_292 : vector<16xf32>
        %add3A_294 = arith.constant 3 : i32
        %add3A_295 = arith.addi %mul3A_276, %add3A_294 : i32
        %mul3A_296 = arith.constant 16 : i32
        %mul3A_297 = arith.muli %add3A_295, %mul3A_296 : i32
        %get3A_298 = arith.index_cast %mul3A_297 : i32 to index
        %get3A_299 = tpu.vector_load %arg5[%get3A_298] {strides = array<i32>} : memref<100000xf32, #tpu.memory_space<vmem>>, vector<16xf32>,
        %max3A_300 = arith.maximumf %max3A_293, %get3A_299 : vector<16xf32>
        %add3A_301 = arith.constant 4 : i32
        %add3A_302 = arith.addi %mul3A_276, %add3A_301 : i32
        %mul3A_303 = arith.constant 16 : i32
        %mul3A_304 = arith.muli %add3A_302, %mul3A_303 : i32
        %get3A_305 = arith.index_cast %mul3A_304 : i32 to index
        %get3A_306 = tpu.vector_load %arg5[%get3A_305] {strides = array<i32>} : memref<100000xf32, #tpu.memory_space<vmem>>, vector<16xf32>,
        %max3A_307 = arith.maximumf %max3A_300, %get3A_306 : vector<16xf32>
        %add3A_308 = arith.constant 5 : i32
        %add3A_309 = arith.addi %mul3A_276, %add3A_308 : i32
        %mul3A_310 = arith.constant 16 : i32
        %mul3A_311 = arith.muli %add3A_309, %mul3A_310 : i32
        %get3A_312 = arith.index_cast %mul3A_311 : i32 to index
        %get3A_313 = tpu.vector_load %arg5[%get3A_312] {strides = array<i32>} : memref<100000xf32, #tpu.memory_space<vmem>>, vector<16xf32>,
        %max3A_314 = arith.maximumf %max3A_307, %get3A_313 : vector<16xf32>
        %add3A_315 = arith.constant 6 : i32
        %add3A_316 = arith.addi %mul3A_276, %add3A_315 : i32
        %mul3A_317 = arith.constant 16 : i32
        %mul3A_318 = arith.muli %add3A_316, %mul3A_317 : i32
        %get3A_319 = arith.index_cast %mul3A_318 : i32 to index
        %get3A_320 = tpu.vector_load %arg5[%get3A_319] {strides = array<i32>} : memref<100000xf32, #tpu.memory_space<vmem>>, vector<16xf32>,
        %max3A_321 = arith.maximumf %max3A_314, %get3A_320 : vector<16xf32>
        %add3A_322 = arith.constant 7 : i32
        %add3A_323 = arith.addi %mul3A_276, %add3A_322 : i32
        %mul3A_324 = arith.constant 16 : i32
        %mul3A_325 = arith.muli %add3A_323, %mul3A_324 : i32
        %get3A_326 = arith.index_cast %mul3A_325 : i32 to index
        %get3A_327 = tpu.vector_load %arg5[%get3A_326] {strides = array<i32>} : memref<100000xf32, #tpu.memory_space<vmem>>, vector<16xf32>,
        %max3A_328 = arith.maximumf %max3A_321, %get3A_327 : vector<16xf32>
        %add3A_329 = arith.constant 8 : i32
        %add3A_330 = arith.addi %mul3A_276, %add3A_329 : i32
        %mul3A_331 = arith.constant 16 : i32
        %mul3A_332 = arith.muli %add3A_330, %mul3A_331 : i32
        %get3A_333 = arith.index_cast %mul3A_332 : i32 to index
        %get3A_334 = tpu.vector_load %arg5[%get3A_333] {strides = array<i32>} : memref<100000xf32, #tpu.memory_space<vmem>>, vector<16xf32>,
        %max3A_335 = arith.maximumf %max3A_328, %get3A_334 : vector<16xf32>
        %add3A_336 = arith.constant 9 : i32
        %add3A_337 = arith.addi %mul3A_276, %add3A_336 : i32
        %mul3A_338 = arith.constant 16 : i32
        %mul3A_339 = arith.muli %add3A_337, %mul3A_338 : i32
        %get3A_340 = arith.index_cast %mul3A_339 : i32 to index
        %get3A_341 = tpu.vector_load %arg5[%get3A_340] {strides = array<i32>} : memref<100000xf32, #tpu.memory_space<vmem>>, vector<16xf32>,
        %max3A_342 = arith.maximumf %max3A_335, %get3A_341 : vector<16xf32>
        %add3A_343 = arith.constant 10 : i32
        %add3A_344 = arith.addi %mul3A_276, %add3A_343 : i32
        %mul3A_345 = arith.constant 16 : i32
        %mul3A_346 = arith.muli %add3A_344, %mul3A_345 : i32
        %get3A_347 = arith.index_cast %mul3A_346 : i32 to index
        %get3A_348 = tpu.vector_load %arg5[%get3A_347] {strides = array<i32>} : memref<100000xf32, #tpu.memory_space<vmem>>, vector<16xf32>,
        %max3A_349 = arith.maximumf %max3A_342, %get3A_348 : vector<16xf32>
        %add3A_350 = arith.constant 11 : i32
        %add3A_351 = arith.addi %mul3A_276, %add3A_350 : i32
        %mul3A_352 = arith.constant 16 : i32
        %mul3A_353 = arith.muli %add3A_351, %mul3A_352 : i32
        %get3A_354 = arith.index_cast %mul3A_353 : i32 to index
        %get3A_355 = tpu.vector_load %arg5[%get3A_354] {strides = array<i32>} : memref<100000xf32, #tpu.memory_space<vmem>>, vector<16xf32>,
        %max3A_356 = arith.maximumf %max3A_349, %get3A_355 : vector<16xf32>
        %add3A_357 = arith.constant 12 : i32
        %add3A_358 = arith.addi %mul3A_276, %add3A_357 : i32
        %mul3A_359 = arith.constant 16 : i32
        %mul3A_360 = arith.muli %add3A_358, %mul3A_359 : i32
        %get3A_361 = arith.index_cast %mul3A_360 : i32 to index
        %get3A_362 = tpu.vector_load %arg5[%get3A_361] {strides = array<i32>} : memref<100000xf32, #tpu.memory_space<vmem>>, vector<16xf32>,
        %max3A_363 = arith.maximumf %max3A_356, %get3A_362 : vector<16xf32>
        %add3A_364 = arith.constant 13 : i32
        %add3A_365 = arith.addi %mul3A_276, %add3A_364 : i32
        %mul3A_366 = arith.constant 16 : i32
        %mul3A_367 = arith.muli %add3A_365, %mul3A_366 : i32
        %get3A_368 = arith.index_cast %mul3A_367 : i32 to index
        %get3A_369 = tpu.vector_load %arg5[%get3A_368] {strides = array<i32>} : memref<100000xf32, #tpu.memory_space<vmem>>, vector<16xf32>,
        %max3A_370 = arith.maximumf %max3A_363, %get3A_369 : vector<16xf32>
        %add3A_371 = arith.constant 14 : i32
        %add3A_372 = arith.addi %mul3A_276, %add3A_371 : i32
        %mul3A_373 = arith.constant 16 : i32
        %mul3A_374 = arith.muli %add3A_372, %mul3A_373 : i32
        %get3A_375 = arith.index_cast %mul3A_374 : i32 to index
        %get3A_376 = tpu.vector_load %arg5[%get3A_375] {strides = array<i32>} : memref<100000xf32, #tpu.memory_space<vmem>>, vector<16xf32>,
        %max3A_377 = arith.maximumf %max3A_370, %get3A_376 : vector<16xf32>
        %add3A_378 = arith.constant 15 : i32
        %add3A_379 = arith.addi %mul3A_276, %add3A_378 : i32
        %mul3A_380 = arith.constant 16 : i32
        %mul3A_381 = arith.muli %add3A_379, %mul3A_380 : i32
        %get3A_382 = arith.index_cast %mul3A_381 : i32 to index
        %get3A_383 = tpu.vector_load %arg5[%get3A_382] {strides = array<i32>} : memref<100000xf32, #tpu.memory_space<vmem>>, vector<16xf32>,
        %max3A_384 = arith.maximumf %max3A_377, %get3A_383 : vector<16xf32>
        %add3A_385 = arith.constant 16 : i32
        %add3A_386 = arith.addi %mul3A_276, %add3A_385 : i32
        %mul3A_387 = arith.constant 16 : i32
        %mul3A_388 = arith.muli %add3A_386, %mul3A_387 : i32
        %get3A_389 = arith.index_cast %mul3A_388 : i32 to index
        %get3A_390 = tpu.vector_load %arg5[%get3A_389] {strides = array<i32>} : memref<100000xf32, #tpu.memory_space<vmem>>, vector<16xf32>,
        %max3A_391 = arith.maximumf %max3A_384, %get3A_390 : vector<16xf32>
        %add3A_392 = arith.constant 17 : i32
        %add3A_393 = arith.addi %mul3A_276, %add3A_392 : i32
        %mul3A_394 = arith.constant 16 : i32
        %mul3A_395 = arith.muli %add3A_393, %mul3A_394 : i32
        %get3A_396 = arith.index_cast %mul3A_395 : i32 to index
        %get3A_397 = tpu.vector_load %arg5[%get3A_396] {strides = array<i32>} : memref<100000xf32, #tpu.memory_space<vmem>>, vector<16xf32>,
        %max3A_398 = arith.maximumf %max3A_391, %get3A_397 : vector<16xf32>
        %add3A_399 = arith.constant 18 : i32
        %add3A_400 = arith.addi %mul3A_276, %add3A_399 : i32
        %mul3A_401 = arith.constant 16 : i32
        %mul3A_402 = arith.muli %add3A_400, %mul3A_401 : i32
        %get3A_403 = arith.index_cast %mul3A_402 : i32 to index
        %get3A_404 = tpu.vector_load %arg5[%get3A_403] {strides = array<i32>} : memref<100000xf32, #tpu.memory_space<vmem>>, vector<16xf32>,
        %max3A_405 = arith.maximumf %max3A_398, %get3A_404 : vector<16xf32>
        %add3A_406 = arith.constant 19 : i32
        %add3A_407 = arith.addi %mul3A_276, %add3A_406 : i32
        %mul3A_408 = arith.constant 16 : i32
        %mul3A_409 = arith.muli %add3A_407, %mul3A_408 : i32
        %get3A_410 = arith.index_cast %mul3A_409 : i32 to index
        %get3A_411 = tpu.vector_load %arg5[%get3A_410] {strides = array<i32>} : memref<100000xf32, #tpu.memory_space<vmem>>, vector<16xf32>,
        %max3A_412 = arith.maximumf %max3A_405, %get3A_411 : vector<16xf32>
        %add3A_413 = arith.constant 20 : i32
        %add3A_414 = arith.addi %mul3A_276, %add3A_413 : i32
        %mul3A_415 = arith.constant 16 : i32
        %mul3A_416 = arith.muli %add3A_414, %mul3A_415 : i32
        %get3A_417 = arith.index_cast %mul3A_416 : i32 to index
        %get3A_418 = tpu.vector_load %arg5[%get3A_417] {strides = array<i32>} : memref<100000xf32, #tpu.memory_space<vmem>>, vector<16xf32>,
        %max3A_419 = arith.maximumf %max3A_412, %get3A_418 : vector<16xf32>
        %add3A_420 = arith.constant 21 : i32
        %add3A_421 = arith.addi %mul3A_276, %add3A_420 : i32
        %mul3A_422 = arith.constant 16 : i32
        %mul3A_423 = arith.muli %add3A_421, %mul3A_422 : i32
        %get3A_424 = arith.index_cast %mul3A_423 : i32 to index
        %get3A_425 = tpu.vector_load %arg5[%get3A_424] {strides = array<i32>} : memref<100000xf32, #tpu.memory_space<vmem>>, vector<16xf32>,
        %max3A_426 = arith.maximumf %max3A_419, %get3A_425 : vector<16xf32>
        %add3A_427 = arith.constant 22 : i32
        %add3A_428 = arith.addi %mul3A_276, %add3A_427 : i32
        %mul3A_429 = arith.constant 16 : i32
        %mul3A_430 = arith.muli %add3A_428, %mul3A_429 : i32
        %get3A_431 = arith.index_cast %mul3A_430 : i32 to index
        %get3A_432 = tpu.vector_load %arg5[%get3A_431] {strides = array<i32>} : memref<100000xf32, #tpu.memory_space<vmem>>, vector<16xf32>,
        %max3A_433 = arith.maximumf %max3A_426, %get3A_432 : vector<16xf32>
        %add3A_434 = arith.constant 23 : i32
        %add3A_435 = arith.addi %mul3A_276, %add3A_434 : i32
        %mul3A_436 = arith.constant 16 : i32
        %mul3A_437 = arith.muli %add3A_435, %mul3A_436 : i32
        %get3A_438 = arith.index_cast %mul3A_437 : i32 to index
        %get3A_439 = tpu.vector_load %arg5[%get3A_438] {strides = array<i32>} : memref<100000xf32, #tpu.memory_space<vmem>>, vector<16xf32>,
        %max3A_440 = arith.maximumf %max3A_433, %get3A_439 : vector<16xf32>
        %add3A_441 = arith.constant 24 : i32
        %add3A_442 = arith.addi %mul3A_276, %add3A_441 : i32
        %mul3A_443 = arith.constant 16 : i32
        %mul3A_444 = arith.muli %add3A_442, %mul3A_443 : i32
        %get3A_445 = arith.index_cast %mul3A_444 : i32 to index
        %get3A_446 = tpu.vector_load %arg5[%get3A_445] {strides = array<i32>} : memref<100000xf32, #tpu.memory_space<vmem>>, vector<16xf32>,
        %max3A_447 = arith.maximumf %max3A_440, %get3A_446 : vector<16xf32>
        %mul3A_448 = arith.constant 16 : i32
        %mul3A_449 = arith.muli %scan3A_274, %mul3A_448 : i32
        %swap3A_450 = arith.index_cast %mul3A_449 : i32 to index
        %swap3A_451 = tpu.vector_load %arg7[%swap3A_450] {strides = array<i32>} : memref<4000xf32, #tpu.memory_space<vmem>>, vector<16xf32>,
        tpu.vector_store %arg7[%swap3A_450], %max3A_447 {strides = array<i32>} : memref<4000xf32, #tpu.memory_space<vmem>>, vector<16xf32>,
      }
      %scan3A_153 = arith.constant 250 : i32
      "tpu.trace_stop"() : () -> ()
      "tpu.trace_start"() <{level = 10 : i32, message = "ph_hist"}> : () -> ()
      %scan3A_154 = arith.constant 0 : i32
      %scan3A_155 = arith.constant 0 : i32
      %scan3A_156 = arith.constant 50 : i32
      %scan3A_157 = arith.addi %scan3A_155, %scan3A_156 : i32
      %scan3A_158 = arith.constant 1 : i32
      scf.for %scan3A_274 = %scan3A_155 to %scan3A_157 step %scan3A_158  : i32 {
        %mul3A_275 = arith.constant 5 : i32
        %mul3A_276 = arith.muli %scan3A_274, %mul3A_275 : i32
        %add3A_277 = arith.constant 0 : i32
        %add3A_278 = arith.addi %mul3A_276, %add3A_277 : i32
        %mul3A_279 = arith.constant 16 : i32
        %mul3A_280 = arith.muli %add3A_278, %mul3A_279 : i32
        %get3A_281 = arith.index_cast %mul3A_280 : i32 to index
        %get3A_282 = tpu.vector_load %arg7[%get3A_281] {strides = array<i32>} : memref<4000xf32, #tpu.memory_space<vmem>>, vector<16xf32>,
        %mul3A_283 = vector.broadcast %scan3A_27 : f32 to vector<16xf32>
        %mul3A_284 = arith.mulf %get3A_282, %mul3A_283 : vector<16xf32>
        %convert_element_type3A_285 = arith.fptosi %mul3A_284 : vector<16xf32> to vector<16xi32>
        %max3A = arith.constant 0 : i32
        %max3A_286 = vector.broadcast %max3A : i32 to vector<16xi32>
        %max3A_287 = arith.maxsi %convert_element_type3A_285, %max3A_286 : vector<16xi32>
        %min3A_288 = arith.constant 4095 : i32
        %min3A_289 = vector.broadcast %min3A_288 : i32 to vector<16xi32>
        %min3A_290 = arith.minsi %max3A_287, %min3A_289 : vector<16xi32>
        tpu.vector_store_idx %arg6[%min3A_290], %broadcast_in_dim3A_5 {add = true} : memref<4096xf32, #tpu.memory_space<vmem>>[vector<16xi32>], vector<16xf32>,
        %mul3A_291 = arith.constant 5 : i32
        %mul3A_292 = arith.muli %scan3A_274, %mul3A_291 : i32
        %add3A_293 = arith.constant 1 : i32
        %add3A_294 = arith.addi %mul3A_292, %add3A_293 : i32
        %mul3A_295 = arith.constant 16 : i32
        %mul3A_296 = arith.muli %add3A_294, %mul3A_295 : i32
        %get3A_297 = arith.index_cast %mul3A_296 : i32 to index
        %get3A_298 = tpu.vector_load %arg7[%get3A_297] {strides = array<i32>} : memref<4000xf32, #tpu.memory_space<vmem>>, vector<16xf32>,
        %mul3A_299 = vector.broadcast %scan3A_27 : f32 to vector<16xf32>
        %mul3A_300 = arith.mulf %get3A_298, %mul3A_299 : vector<16xf32>
        %convert_element_type3A_301 = arith.fptosi %mul3A_300 : vector<16xf32> to vector<16xi32>
        %max3A_302 = arith.constant 0 : i32
        %max3A_303 = vector.broadcast %max3A_302 : i32 to vector<16xi32>
        %max3A_304 = arith.maxsi %convert_element_type3A_301, %max3A_303 : vector<16xi32>
        %min3A_305 = arith.constant 4095 : i32
        %min3A_306 = vector.broadcast %min3A_305 : i32 to vector<16xi32>
        %min3A_307 = arith.minsi %max3A_304, %min3A_306 : vector<16xi32>
        tpu.vector_store_idx %arg6[%min3A_307], %broadcast_in_dim3A_5 {add = true} : memref<4096xf32, #tpu.memory_space<vmem>>[vector<16xi32>], vector<16xf32>,
        %mul3A_308 = arith.constant 5 : i32
        %mul3A_309 = arith.muli %scan3A_274, %mul3A_308 : i32
        %add3A_310 = arith.constant 2 : i32
        %add3A_311 = arith.addi %mul3A_309, %add3A_310 : i32
        %mul3A_312 = arith.constant 16 : i32
        %mul3A_313 = arith.muli %add3A_311, %mul3A_312 : i32
        %get3A_314 = arith.index_cast %mul3A_313 : i32 to index
        %get3A_315 = tpu.vector_load %arg7[%get3A_314] {strides = array<i32>} : memref<4000xf32, #tpu.memory_space<vmem>>, vector<16xf32>,
        %mul3A_316 = vector.broadcast %scan3A_27 : f32 to vector<16xf32>
        %mul3A_317 = arith.mulf %get3A_315, %mul3A_316 : vector<16xf32>
        %convert_element_type3A_318 = arith.fptosi %mul3A_317 : vector<16xf32> to vector<16xi32>
        %max3A_319 = arith.constant 0 : i32
        %max3A_320 = vector.broadcast %max3A_319 : i32 to vector<16xi32>
        %max3A_321 = arith.maxsi %convert_element_type3A_318, %max3A_320 : vector<16xi32>
        %min3A_322 = arith.constant 4095 : i32
        %min3A_323 = vector.broadcast %min3A_322 : i32 to vector<16xi32>
        %min3A_324 = arith.minsi %max3A_321, %min3A_323 : vector<16xi32>
        tpu.vector_store_idx %arg6[%min3A_324], %broadcast_in_dim3A_5 {add = true} : memref<4096xf32, #tpu.memory_space<vmem>>[vector<16xi32>], vector<16xf32>,
        %mul3A_325 = arith.constant 5 : i32
        %mul3A_326 = arith.muli %scan3A_274, %mul3A_325 : i32
        %add3A_327 = arith.constant 3 : i32
        %add3A_328 = arith.addi %mul3A_326, %add3A_327 : i32
        %mul3A_329 = arith.constant 16 : i32
        %mul3A_330 = arith.muli %add3A_328, %mul3A_329 : i32
        %get3A_331 = arith.index_cast %mul3A_330 : i32 to index
        %get3A_332 = tpu.vector_load %arg7[%get3A_331] {strides = array<i32>} : memref<4000xf32, #tpu.memory_space<vmem>>, vector<16xf32>,
        %mul3A_333 = vector.broadcast %scan3A_27 : f32 to vector<16xf32>
        %mul3A_334 = arith.mulf %get3A_332, %mul3A_333 : vector<16xf32>
        %convert_element_type3A_335 = arith.fptosi %mul3A_334 : vector<16xf32> to vector<16xi32>
        %max3A_336 = arith.constant 0 : i32
        %max3A_337 = vector.broadcast %max3A_336 : i32 to vector<16xi32>
        %max3A_338 = arith.maxsi %convert_element_type3A_335, %max3A_337 : vector<16xi32>
        %min3A_339 = arith.constant 4095 : i32
        %min3A_340 = vector.broadcast %min3A_339 : i32 to vector<16xi32>
        %min3A_341 = arith.minsi %max3A_338, %min3A_340 : vector<16xi32>
        tpu.vector_store_idx %arg6[%min3A_341], %broadcast_in_dim3A_5 {add = true} : memref<4096xf32, #tpu.memory_space<vmem>>[vector<16xi32>], vector<16xf32>,
        %mul3A_342 = arith.constant 5 : i32
        %mul3A_343 = arith.muli %scan3A_274, %mul3A_342 : i32
        %add3A_344 = arith.constant 4 : i32
        %add3A_345 = arith.addi %mul3A_343, %add3A_344 : i32
        %mul3A_346 = arith.constant 16 : i32
        %mul3A_347 = arith.muli %add3A_345, %mul3A_346 : i32
        %get3A_348 = arith.index_cast %mul3A_347 : i32 to index
        %get3A_349 = tpu.vector_load %arg7[%get3A_348] {strides = array<i32>} : memref<4000xf32, #tpu.memory_space<vmem>>, vector<16xf32>,
        %mul3A_350 = vector.broadcast %scan3A_27 : f32 to vector<16xf32>
        %mul3A_351 = arith.mulf %get3A_349, %mul3A_350 : vector<16xf32>
        %convert_element_type3A_352 = arith.fptosi %mul3A_351 : vector<16xf32> to vector<16xi32>
        %max3A_353 = arith.constant 0 : i32
        %max3A_354 = vector.broadcast %max3A_353 : i32 to vector<16xi32>
        %max3A_355 = arith.maxsi %convert_element_type3A_352, %max3A_354 : vector<16xi32>
        %min3A_356 = arith.constant 4095 : i32
        %min3A_357 = vector.broadcast %min3A_356 : i32 to vector<16xi32>
        %min3A_358 = arith.minsi %max3A_355, %min3A_357 : vector<16xi32>
        tpu.vector_store_idx %arg6[%min3A_358], %broadcast_in_dim3A_5 {add = true} : memref<4096xf32, #tpu.memory_space<vmem>>[vector<16xi32>], vector<16xf32>,
      }
      %scan3A_159 = arith.constant 50 : i32
      %while3A = arith.constant 255 : i32
      %while3A_160 = arith.constant 0.000000e+00 : f32
      "tpu.trace_stop"() : () -> ()
      "tpu.trace_start"() <{level = 10 : i32, message = "ph_scan"}> : () -> ()
      %while3A_161:2 = scf.while (%while3A_274 = %while3A, %while3A_275 = %while3A_160) : (i32, f32) -> (i32, f32) {
        %lt3A = arith.cmpf olt, %while3A_275, %scan3A_28 : f32
        scf.condition(%lt3A) %while3A_274, %while3A_275 : i32, f32
      } do {
      ^bb0(%while3A_274: i32, %while3A_275: f32):
        %mul3A_276 = arith.constant 16 : i32
        %mul3A_277 = arith.muli %while3A_274, %mul3A_276 : i32
        %get3A_278 = arith.index_cast %mul3A_277 : i32 to index
        %get3A_279 = tpu.vector_load %arg6[%get3A_278] {strides = array<i32>} : memref<4096xf32, #tpu.memory_space<vmem>>, vector<16xf32>,
        %reduce_sum3A_280 = arith.constant true
        %reduce_sum3A_281 = vector.broadcast %reduce_sum3A_280 : i1 to vector<16xi1>
        %reduce_sum3A_282 = tpu.scan <sum>, %get3A_279 masked %reduce_sum3A_281 : vector<16xf32>, vector<16xi1> -> vector<16xf32>
        %reduce_sum3A_283 = vector.extract %reduce_sum3A_282[15] : f32 from vector<16xf32>
        %sub3A_284 = arith.constant 1 : i32
        %sub3A_285 = arith.subi %while3A_274, %sub3A_284 : i32
        %add3A_286 = arith.addf %while3A_275, %reduce_sum3A_283 : f32
        scf.yield %sub3A_285, %add3A_286 : i32, f32
      }
      "tpu.trace_stop"() : () -> ()
      %add3A_162 = arith.constant 1 : i32
      %add3A_163 = arith.addi %while3A_161#0, %add3A_162 : i32
      %mul3A_164 = arith.constant 16 : i32
      %mul3A_165 = arith.muli %add3A_163, %mul3A_164 : i32
      %get3A = arith.index_cast %mul3A_165 : i32 to index
      %get3A_166 = tpu.vector_load %arg6[%get3A] {strides = array<i32>} : memref<4096xf32, #tpu.memory_space<vmem>>, vector<16xf32>,
      %reduce_sum3A = arith.constant true
      %reduce_sum3A_167 = vector.broadcast %reduce_sum3A : i1 to vector<16xi1>
      %reduce_sum3A_168 = tpu.scan <sum>, %get3A_166 masked %reduce_sum3A_167 : vector<16xf32>, vector<16xi1> -> vector<16xf32>
      %reduce_sum3A_169 = vector.extract %reduce_sum3A_168[15] : f32 from vector<16xf32>
      %sub3A_170 = arith.subf %while3A_161#1, %reduce_sum3A_169 : f32
      %rev3A = arith.constant 15 : i32
      %rev3A_171 = vector.broadcast %rev3A : i32 to vector<16xi32>
      %rev3A_172 = tpu.iota {dimensions = array<i32: 0>} : vector<16xi32>
      %rev3A_173 = arith.subi %rev3A_171, %rev3A_172 : vector<16xi32>
      %rev3A_174 = tpu.dynamic_gather %get3A_166[%rev3A_173] in [0] : vector<16xf32>, vector<16xi32> -> vector<16xf32>
      %broadcast_in_dim3A_175 = arith.constant true
      %broadcast_in_dim3A_176 = vector.broadcast %broadcast_in_dim3A_175 : i1 to vector<16xi1>
      %masked_cumsum3A = tpu.scan <sum>, %rev3A_174 masked %broadcast_in_dim3A_176 : vector<16xf32>, vector<16xi1> -> vector<16xf32>
      %rev3A_177 = arith.constant 15 : i32
      %rev3A_178 = vector.broadcast %rev3A_177 : i32 to vector<16xi32>
      %rev3A_179 = tpu.iota {dimensions = array<i32: 0>} : vector<16xi32>
      %rev3A_180 = arith.subi %rev3A_178, %rev3A_179 : vector<16xi32>
      %rev3A_181 = tpu.dynamic_gather %masked_cumsum3A[%rev3A_180] in [0] : vector<16xf32>, vector<16xi32> -> vector<16xf32>
      %add3A_182 = vector.broadcast %sub3A_170 : f32 to vector<16xf32>
      %add3A_183 = arith.addf %add3A_182, %rev3A_181 : vector<16xf32>
      %ge3A = vector.broadcast %scan3A_28 : f32 to vector<16xf32>
      %ge3A_184 = arith.cmpf oge, %add3A_183, %ge3A : vector<16xf32>
      %mul3A_185 = arith.constant 16 : i32
      %mul3A_186 = arith.muli %add3A_163, %mul3A_185 : i32
      %convert_element_type3A = arith.extui %ge3A_184 : vector<16xi1> to vector<16xi32>
      %reduce_sum3A_187 = arith.constant true
      %reduce_sum3A_188 = vector.broadcast %reduce_sum3A_187 : i1 to vector<16xi1>
      %reduce_sum3A_189 = tpu.scan <sum>, %convert_element_type3A masked %reduce_sum3A_188 : vector<16xi32>, vector<16xi1> -> vector<16xi32>
      %reduce_sum3A_190 = vector.extract %reduce_sum3A_189[15] : i32 from vector<16xi32>
      %add3A_191 = arith.addi %mul3A_186, %reduce_sum3A_190 : i32
      %sub3A_192 = arith.constant 1 : i32
      %sub3A_193 = arith.subi %add3A_191, %sub3A_192 : i32
      %convert_element_type3A_194 = arith.sitofp %sub3A_193 : i32 to f32
      %mul3A_195 = arith.constant 2.44140625E-4 : f32
      %mul3A_196 = arith.mulf %convert_element_type3A_194, %mul3A_195 : f32
      %broadcast_in_dim3A_197 = vector.broadcast %mul3A_196 : f32 to vector<16xf32>
      "tpu.trace_start"() <{level = 10 : i32, message = "ph_collect"}> : () -> ()
      %scan3A_198 = arith.constant 0 : i32
      %scan3A_199 = arith.constant 0 : i32
      %scan3A_200 = arith.constant 50 : i32
      %scan3A_201 = arith.addi %scan3A_199, %scan3A_200 : i32
      %scan3A_202 = arith.constant 1 : i32
      %scan3A_203 = scf.for %scan3A_274 = %scan3A_199 to %scan3A_201 step %scan3A_202 iter_args(%scan3A_275 = %scan3A_198) -> (i32)  : i32 {
        %mul3A_276 = arith.constant 5 : i32
        %mul3A_277 = arith.muli %scan3A_274, %mul3A_276 : i32
        %add3A_278 = arith.constant 0 : i32
        %add3A_279 = arith.addi %mul3A_277, %add3A_278 : i32
        %mul3A_280 = arith.constant 16 : i32
        %mul3A_281 = arith.muli %add3A_279, %mul3A_280 : i32
        %get3A_282 = arith.index_cast %mul3A_281 : i32 to index
        %get3A_283 = tpu.vector_load %arg7[%get3A_282] {strides = array<i32>} : memref<4000xf32, #tpu.memory_space<vmem>>, vector<16xf32>,
        %ge3A_284 = arith.cmpf oge, %get3A_283, %broadcast_in_dim3A_197 : vector<16xf32>
        %mul3A_285 = arith.constant 16 : i32
        %mul3A_286 = arith.muli %add3A_279, %mul3A_285 : i32
        %add3A_287 = vector.broadcast %mul3A_286 : i32 to vector<16xi32>
        %add3A_288 = arith.addi %add3A_287, %iota3A : vector<16xi32>
        %swap3A_289 = arith.index_cast %scan3A_275 : i32 to index
        %swap3A_290 = tpu.vector_load %arg9[%swap3A_289] masked %ge3A_284 {strides = array<i32>} : memref<4016xi32, #tpu.memory_space<vmem>>, vector<16xi32>, vector<16xi1>
        tpu.vector_store %arg9[%swap3A_289], %add3A_288 masked %ge3A_284 {strides = array<i32>} : memref<4016xi32, #tpu.memory_space<vmem>>, vector<16xi32>, vector<16xi1>
        %convert_element_type3A_291 = arith.extui %ge3A_284 : vector<16xi1> to vector<16xi32>
        %reduce_sum3A_292 = arith.constant true
        %reduce_sum3A_293 = vector.broadcast %reduce_sum3A_292 : i1 to vector<16xi1>
        %reduce_sum3A_294 = tpu.scan <sum>, %convert_element_type3A_291 masked %reduce_sum3A_293 : vector<16xi32>, vector<16xi1> -> vector<16xi32>
        %reduce_sum3A_295 = vector.extract %reduce_sum3A_294[15] : i32 from vector<16xi32>
        %add3A_296 = arith.addi %scan3A_275, %reduce_sum3A_295 : i32
        %mul3A_297 = arith.constant 5 : i32
        %mul3A_298 = arith.muli %scan3A_274, %mul3A_297 : i32
        %add3A_299 = arith.constant 1 : i32
        %add3A_300 = arith.addi %mul3A_298, %add3A_299 : i32
        %mul3A_301 = arith.constant 16 : i32
        %mul3A_302 = arith.muli %add3A_300, %mul3A_301 : i32
        %get3A_303 = arith.index_cast %mul3A_302 : i32 to index
        %get3A_304 = tpu.vector_load %arg7[%get3A_303] {strides = array<i32>} : memref<4000xf32, #tpu.memory_space<vmem>>, vector<16xf32>,
        %ge3A_305 = arith.cmpf oge, %get3A_304, %broadcast_in_dim3A_197 : vector<16xf32>
        %mul3A_306 = arith.constant 16 : i32
        %mul3A_307 = arith.muli %add3A_300, %mul3A_306 : i32
        %add3A_308 = vector.broadcast %mul3A_307 : i32 to vector<16xi32>
        %add3A_309 = arith.addi %add3A_308, %iota3A : vector<16xi32>
        %swap3A_310 = arith.index_cast %add3A_296 : i32 to index
        %swap3A_311 = tpu.vector_load %arg9[%swap3A_310] masked %ge3A_305 {strides = array<i32>} : memref<4016xi32, #tpu.memory_space<vmem>>, vector<16xi32>, vector<16xi1>
        tpu.vector_store %arg9[%swap3A_310], %add3A_309 masked %ge3A_305 {strides = array<i32>} : memref<4016xi32, #tpu.memory_space<vmem>>, vector<16xi32>, vector<16xi1>
        %convert_element_type3A_312 = arith.extui %ge3A_305 : vector<16xi1> to vector<16xi32>
        %reduce_sum3A_313 = arith.constant true
        %reduce_sum3A_314 = vector.broadcast %reduce_sum3A_313 : i1 to vector<16xi1>
        %reduce_sum3A_315 = tpu.scan <sum>, %convert_element_type3A_312 masked %reduce_sum3A_314 : vector<16xi32>, vector<16xi1> -> vector<16xi32>
        %reduce_sum3A_316 = vector.extract %reduce_sum3A_315[15] : i32 from vector<16xi32>
        %add3A_317 = arith.addi %add3A_296, %reduce_sum3A_316 : i32
        %mul3A_318 = arith.constant 5 : i32
        %mul3A_319 = arith.muli %scan3A_274, %mul3A_318 : i32
        %add3A_320 = arith.constant 2 : i32
        %add3A_321 = arith.addi %mul3A_319, %add3A_320 : i32
        %mul3A_322 = arith.constant 16 : i32
        %mul3A_323 = arith.muli %add3A_321, %mul3A_322 : i32
        %get3A_324 = arith.index_cast %mul3A_323 : i32 to index
        %get3A_325 = tpu.vector_load %arg7[%get3A_324] {strides = array<i32>} : memref<4000xf32, #tpu.memory_space<vmem>>, vector<16xf32>,
        %ge3A_326 = arith.cmpf oge, %get3A_325, %broadcast_in_dim3A_197 : vector<16xf32>
        %mul3A_327 = arith.constant 16 : i32
        %mul3A_328 = arith.muli %add3A_321, %mul3A_327 : i32
        %add3A_329 = vector.broadcast %mul3A_328 : i32 to vector<16xi32>
        %add3A_330 = arith.addi %add3A_329, %iota3A : vector<16xi32>
        %swap3A_331 = arith.index_cast %add3A_317 : i32 to index
        %swap3A_332 = tpu.vector_load %arg9[%swap3A_331] masked %ge3A_326 {strides = array<i32>} : memref<4016xi32, #tpu.memory_space<vmem>>, vector<16xi32>, vector<16xi1>
        tpu.vector_store %arg9[%swap3A_331], %add3A_330 masked %ge3A_326 {strides = array<i32>} : memref<4016xi32, #tpu.memory_space<vmem>>, vector<16xi32>, vector<16xi1>
        %convert_element_type3A_333 = arith.extui %ge3A_326 : vector<16xi1> to vector<16xi32>
        %reduce_sum3A_334 = arith.constant true
        %reduce_sum3A_335 = vector.broadcast %reduce_sum3A_334 : i1 to vector<16xi1>
        %reduce_sum3A_336 = tpu.scan <sum>, %convert_element_type3A_333 masked %reduce_sum3A_335 : vector<16xi32>, vector<16xi1> -> vector<16xi32>
        %reduce_sum3A_337 = vector.extract %reduce_sum3A_336[15] : i32 from vector<16xi32>
        %add3A_338 = arith.addi %add3A_317, %reduce_sum3A_337 : i32
        %mul3A_339 = arith.constant 5 : i32
        %mul3A_340 = arith.muli %scan3A_274, %mul3A_339 : i32
        %add3A_341 = arith.constant 3 : i32
        %add3A_342 = arith.addi %mul3A_340, %add3A_341 : i32
        %mul3A_343 = arith.constant 16 : i32
        %mul3A_344 = arith.muli %add3A_342, %mul3A_343 : i32
        %get3A_345 = arith.index_cast %mul3A_344 : i32 to index
        %get3A_346 = tpu.vector_load %arg7[%get3A_345] {strides = array<i32>} : memref<4000xf32, #tpu.memory_space<vmem>>, vector<16xf32>,
        %ge3A_347 = arith.cmpf oge, %get3A_346, %broadcast_in_dim3A_197 : vector<16xf32>
        %mul3A_348 = arith.constant 16 : i32
        %mul3A_349 = arith.muli %add3A_342, %mul3A_348 : i32
        %add3A_350 = vector.broadcast %mul3A_349 : i32 to vector<16xi32>
        %add3A_351 = arith.addi %add3A_350, %iota3A : vector<16xi32>
        %swap3A_352 = arith.index_cast %add3A_338 : i32 to index
        %swap3A_353 = tpu.vector_load %arg9[%swap3A_352] masked %ge3A_347 {strides = array<i32>} : memref<4016xi32, #tpu.memory_space<vmem>>, vector<16xi32>, vector<16xi1>
        tpu.vector_store %arg9[%swap3A_352], %add3A_351 masked %ge3A_347 {strides = array<i32>} : memref<4016xi32, #tpu.memory_space<vmem>>, vector<16xi32>, vector<16xi1>
        %convert_element_type3A_354 = arith.extui %ge3A_347 : vector<16xi1> to vector<16xi32>
        %reduce_sum3A_355 = arith.constant true
        %reduce_sum3A_356 = vector.broadcast %reduce_sum3A_355 : i1 to vector<16xi1>
        %reduce_sum3A_357 = tpu.scan <sum>, %convert_element_type3A_354 masked %reduce_sum3A_356 : vector<16xi32>, vector<16xi1> -> vector<16xi32>
        %reduce_sum3A_358 = vector.extract %reduce_sum3A_357[15] : i32 from vector<16xi32>
        %add3A_359 = arith.addi %add3A_338, %reduce_sum3A_358 : i32
        %mul3A_360 = arith.constant 5 : i32
        %mul3A_361 = arith.muli %scan3A_274, %mul3A_360 : i32
        %add3A_362 = arith.constant 4 : i32
        %add3A_363 = arith.addi %mul3A_361, %add3A_362 : i32
        %mul3A_364 = arith.constant 16 : i32
        %mul3A_365 = arith.muli %add3A_363, %mul3A_364 : i32
        %get3A_366 = arith.index_cast %mul3A_365 : i32 to index
        %get3A_367 = tpu.vector_load %arg7[%get3A_366] {strides = array<i32>} : memref<4000xf32, #tpu.memory_space<vmem>>, vector<16xf32>,
        %ge3A_368 = arith.cmpf oge, %get3A_367, %broadcast_in_dim3A_197 : vector<16xf32>
        %mul3A_369 = arith.constant 16 : i32
        %mul3A_370 = arith.muli %add3A_363, %mul3A_369 : i32
        %add3A_371 = vector.broadcast %mul3A_370 : i32 to vector<16xi32>
        %add3A_372 = arith.addi %add3A_371, %iota3A : vector<16xi32>
        %swap3A_373 = arith.index_cast %add3A_359 : i32 to index
        %swap3A_374 = tpu.vector_load %arg9[%swap3A_373] masked %ge3A_368 {strides = array<i32>} : memref<4016xi32, #tpu.memory_space<vmem>>, vector<16xi32>, vector<16xi1>
        tpu.vector_store %arg9[%swap3A_373], %add3A_372 masked %ge3A_368 {strides = array<i32>} : memref<4016xi32, #tpu.memory_space<vmem>>, vector<16xi32>, vector<16xi1>
        %convert_element_type3A_375 = arith.extui %ge3A_368 : vector<16xi1> to vector<16xi32>
        %reduce_sum3A_376 = arith.constant true
        %reduce_sum3A_377 = vector.broadcast %reduce_sum3A_376 : i1 to vector<16xi1>
        %reduce_sum3A_378 = tpu.scan <sum>, %convert_element_type3A_375 masked %reduce_sum3A_377 : vector<16xi32>, vector<16xi1> -> vector<16xi32>
        %reduce_sum3A_379 = vector.extract %reduce_sum3A_378[15] : i32 from vector<16xi32>
        %add3A_380 = arith.addi %add3A_359, %reduce_sum3A_379 : i32
        scf.yield %add3A_380 : i32
      }
      %scan3A_204 = arith.constant 50 : i32
      %while3A_205 = arith.constant 0 : i32
      %while3A_206 = arith.constant 0 : i32
      %while3A_207 = arith.subi %scan3A_203, %while3A_205 : i32
      %while3A_208 = arith.addi %while3A_205, %while3A_207 : i32
      %while3A_209 = arith.constant 1 : i32
      %while3A_210 = arith.divsi %while3A_207, %while3A_209 : i32
      %while3A_211 = arith.muli %while3A_210, %while3A_209 : i32
      %while3A_212 = arith.addi %while3A_205, %while3A_211 : i32
      %while3A_213 = arith.constant 1 : i32
      %while3A_214 = scf.for %while3A_274 = %while3A_205 to %while3A_212 step %while3A_213 iter_args(%while3A_275 = %while3A_206) -> (i32)  : i32 {
        %broadcast_in_dim3A_276 = vector.broadcast %while3A_274 : i32 to vector<16xi32>
        %gather3A = tpu.vector_load_idx %arg9[%broadcast_in_dim3A_276] : memref<4016xi32, #tpu.memory_space<vmem>>[vector<16xi32>], vector<16xi32>,
        %shift_right_arithmetic3A_277 = arith.constant 4 : i32
        %shift_right_arithmetic3A_278 = vector.broadcast %shift_right_arithmetic3A_277 : i32 to vector<16xi32>
        %shift_right_arithmetic3A_279 = arith.shrsi %gather3A, %shift_right_arithmetic3A_278 : vector<16xi32>
        %mul3A_280 = arith.constant 400 : i32
        %mul3A_281 = vector.broadcast %mul3A_280 : i32 to vector<16xi32>
        %mul3A_282 = arith.muli %shift_right_arithmetic3A_279, %mul3A_281 : vector<16xi32>
        %and3A_283 = arith.constant 15 : i32
        %and3A_284 = vector.broadcast %and3A_283 : i32 to vector<16xi32>
        %and3A_285 = arith.andi %gather3A, %and3A_284 : vector<16xi32>
        %add3A_286 = arith.addi %mul3A_282, %and3A_285 : vector<16xi32>
        %mul3A_287 = arith.constant 16 : i32
        %mul3A_288 = vector.broadcast %mul3A_287 : i32 to vector<16xi32>
        %mul3A_289 = arith.muli %iota3A, %mul3A_288 : vector<16xi32>
        %add3A_290 = arith.addi %add3A_286, %mul3A_289 : vector<16xi32>
        %gather3A_291 = tpu.vector_load_idx %arg5[%add3A_290] : memref<100000xf32, #tpu.memory_space<vmem>>[vector<16xi32>], vector<16xf32>,
        %ge3A_292 = arith.cmpf oge, %gather3A_291, %broadcast_in_dim3A_197 : vector<16xf32>
        %min3A_293 = arith.constant 512 : i32
        %min3A_294 = arith.minsi %while3A_275, %min3A_293 : i32
        %swap3A_295 = arith.index_cast %min3A_294 : i32 to index
        %swap3A_296 = tpu.vector_load %arg8[%swap3A_295] masked %ge3A_292 {strides = array<i32>} : memref<528xi32, #tpu.memory_space<vmem>>, vector<16xi32>, vector<16xi1>
        tpu.vector_store %arg8[%swap3A_295], %add3A_290 masked %ge3A_292 {strides = array<i32>} : memref<528xi32, #tpu.memory_space<vmem>>, vector<16xi32>, vector<16xi1>
        %convert_element_type3A_297 = arith.extui %ge3A_292 : vector<16xi1> to vector<16xi32>
        %reduce_sum3A_298 = arith.constant true
        %reduce_sum3A_299 = vector.broadcast %reduce_sum3A_298 : i1 to vector<16xi1>
        %reduce_sum3A_300 = tpu.scan <sum>, %convert_element_type3A_297 masked %reduce_sum3A_299 : vector<16xi32>, vector<16xi1> -> vector<16xi32>
        %reduce_sum3A_301 = vector.extract %reduce_sum3A_300[15] : i32 from vector<16xi32>
        %add3A_302 = arith.addi %min3A_294, %reduce_sum3A_301 : i32
        %add3A_303 = arith.constant 256 : i32
        %add3A_304 = vector.broadcast %add3A_303 : i32 to vector<16xi32>
        %add3A_305 = arith.addi %add3A_290, %add3A_304 : vector<16xi32>
        %min3A_306 = arith.constant 99999 : i32
        %min3A_307 = vector.broadcast %min3A_306 : i32 to vector<16xi32>
        %min3A_308 = arith.minsi %add3A_305, %min3A_307 : vector<16xi32>
        %gather3A_309 = tpu.vector_load_idx %arg5[%min3A_308] : memref<100000xf32, #tpu.memory_space<vmem>>[vector<16xi32>], vector<16xf32>,
        %ge3A_310 = arith.cmpf oge, %gather3A_309, %broadcast_in_dim3A_197 : vector<16xf32>
        %lt3A = arith.constant 9 : i32
        %lt3A_311 = vector.broadcast %lt3A : i32 to vector<16xi32>
        %lt3A_312 = arith.cmpi slt, %iota3A, %lt3A_311 : vector<16xi32>
        %and3A_313 = arith.andi %ge3A_310, %lt3A_312 : vector<16xi1>
        %min3A_314 = arith.constant 512 : i32
        %min3A_315 = arith.minsi %add3A_302, %min3A_314 : i32
        %swap3A_316 = arith.index_cast %min3A_315 : i32 to index
        %swap3A_317 = tpu.vector_load %arg8[%swap3A_316] masked %and3A_313 {strides = array<i32>} : memref<528xi32, #tpu.memory_space<vmem>>, vector<16xi32>, vector<16xi1>
        tpu.vector_store %arg8[%swap3A_316], %add3A_305 masked %and3A_313 {strides = array<i32>} : memref<528xi32, #tpu.memory_space<vmem>>, vector<16xi32>, vector<16xi1>
        %convert_element_type3A_318 = arith.extui %and3A_313 : vector<16xi1> to vector<16xi32>
        %reduce_sum3A_319 = arith.constant true
        %reduce_sum3A_320 = vector.broadcast %reduce_sum3A_319 : i1 to vector<16xi1>
        %reduce_sum3A_321 = tpu.scan <sum>, %convert_element_type3A_318 masked %reduce_sum3A_320 : vector<16xi32>, vector<16xi1> -> vector<16xi32>
        %reduce_sum3A_322 = vector.extract %reduce_sum3A_321[15] : i32 from vector<16xi32>
        %add3A_323 = arith.addi %min3A_315, %reduce_sum3A_322 : i32
        scf.yield %add3A_323 : i32
      }
      %while3A_215 = arith.constant 1 : i32
      %while3A_216 = scf.for %while3A_274 = %while3A_212 to %while3A_208 step %while3A_215 iter_args(%while3A_275 = %while3A_214) -> (i32)  : i32 {
        %broadcast_in_dim3A_276 = vector.broadcast %while3A_274 : i32 to vector<16xi32>
        %gather3A = tpu.vector_load_idx %arg9[%broadcast_in_dim3A_276] : memref<4016xi32, #tpu.memory_space<vmem>>[vector<16xi32>], vector<16xi32>,
        %shift_right_arithmetic3A_277 = arith.constant 4 : i32
        %shift_right_arithmetic3A_278 = vector.broadcast %shift_right_arithmetic3A_277 : i32 to vector<16xi32>
        %shift_right_arithmetic3A_279 = arith.shrsi %gather3A, %shift_right_arithmetic3A_278 : vector<16xi32>
        %mul3A_280 = arith.constant 400 : i32
        %mul3A_281 = vector.broadcast %mul3A_280 : i32 to vector<16xi32>
        %mul3A_282 = arith.muli %shift_right_arithmetic3A_279, %mul3A_281 : vector<16xi32>
        %and3A_283 = arith.constant 15 : i32
        %and3A_284 = vector.broadcast %and3A_283 : i32 to vector<16xi32>
        %and3A_285 = arith.andi %gather3A, %and3A_284 : vector<16xi32>
        %add3A_286 = arith.addi %mul3A_282, %and3A_285 : vector<16xi32>
        %mul3A_287 = arith.constant 16 : i32
        %mul3A_288 = vector.broadcast %mul3A_287 : i32 to vector<16xi32>
        %mul3A_289 = arith.muli %iota3A, %mul3A_288 : vector<16xi32>
        %add3A_290 = arith.addi %add3A_286, %mul3A_289 : vector<16xi32>
        %gather3A_291 = tpu.vector_load_idx %arg5[%add3A_290] : memref<100000xf32, #tpu.memory_space<vmem>>[vector<16xi32>], vector<16xf32>,
        %ge3A_292 = arith.cmpf oge, %gather3A_291, %broadcast_in_dim3A_197 : vector<16xf32>
        %min3A_293 = arith.constant 512 : i32
        %min3A_294 = arith.minsi %while3A_275, %min3A_293 : i32
        %swap3A_295 = arith.index_cast %min3A_294 : i32 to index
        %swap3A_296 = tpu.vector_load %arg8[%swap3A_295] masked %ge3A_292 {strides = array<i32>} : memref<528xi32, #tpu.memory_space<vmem>>, vector<16xi32>, vector<16xi1>
        tpu.vector_store %arg8[%swap3A_295], %add3A_290 masked %ge3A_292 {strides = array<i32>} : memref<528xi32, #tpu.memory_space<vmem>>, vector<16xi32>, vector<16xi1>
        %convert_element_type3A_297 = arith.extui %ge3A_292 : vector<16xi1> to vector<16xi32>
        %reduce_sum3A_298 = arith.constant true
        %reduce_sum3A_299 = vector.broadcast %reduce_sum3A_298 : i1 to vector<16xi1>
        %reduce_sum3A_300 = tpu.scan <sum>, %convert_element_type3A_297 masked %reduce_sum3A_299 : vector<16xi32>, vector<16xi1> -> vector<16xi32>
        %reduce_sum3A_301 = vector.extract %reduce_sum3A_300[15] : i32 from vector<16xi32>
        %add3A_302 = arith.addi %min3A_294, %reduce_sum3A_301 : i32
        %add3A_303 = arith.constant 256 : i32
        %add3A_304 = vector.broadcast %add3A_303 : i32 to vector<16xi32>
        %add3A_305 = arith.addi %add3A_290, %add3A_304 : vector<16xi32>
        %min3A_306 = arith.constant 99999 : i32
        %min3A_307 = vector.broadcast %min3A_306 : i32 to vector<16xi32>
        %min3A_308 = arith.minsi %add3A_305, %min3A_307 : vector<16xi32>
        %gather3A_309 = tpu.vector_load_idx %arg5[%min3A_308] : memref<100000xf32, #tpu.memory_space<vmem>>[vector<16xi32>], vector<16xf32>,
        %ge3A_310 = arith.cmpf oge, %gather3A_309, %broadcast_in_dim3A_197 : vector<16xf32>
        %lt3A = arith.constant 9 : i32
        %lt3A_311 = vector.broadcast %lt3A : i32 to vector<16xi32>
        %lt3A_312 = arith.cmpi slt, %iota3A, %lt3A_311 : vector<16xi32>
        %and3A_313 = arith.andi %ge3A_310, %lt3A_312 : vector<16xi1>
        %min3A_314 = arith.constant 512 : i32
        %min3A_315 = arith.minsi %add3A_302, %min3A_314 : i32
        %swap3A_316 = arith.index_cast %min3A_315 : i32 to index
        %swap3A_317 = tpu.vector_load %arg8[%swap3A_316] masked %and3A_313 {strides = array<i32>} : memref<528xi32, #tpu.memory_space<vmem>>, vector<16xi32>, vector<16xi1>
        tpu.vector_store %arg8[%swap3A_316], %add3A_305 masked %and3A_313 {strides = array<i32>} : memref<528xi32, #tpu.memory_space<vmem>>, vector<16xi32>, vector<16xi1>
        %convert_element_type3A_318 = arith.extui %and3A_313 : vector<16xi1> to vector<16xi32>
        %reduce_sum3A_319 = arith.constant true
        %reduce_sum3A_320 = vector.broadcast %reduce_sum3A_319 : i1 to vector<16xi1>
        %reduce_sum3A_321 = tpu.scan <sum>, %convert_element_type3A_318 masked %reduce_sum3A_320 : vector<16xi32>, vector<16xi1> -> vector<16xi32>
        %reduce_sum3A_322 = vector.extract %reduce_sum3A_321[15] : i32 from vector<16xi32>
        %add3A_323 = arith.addi %min3A_315, %reduce_sum3A_322 : i32
        scf.yield %add3A_323 : i32
      }
      "tpu.trace_stop"() : () -> ()
      %broadcast_in_dim3A_217 = vector.broadcast %while3A_216 : i32 to vector<16xi32>
      %add3A_218 = arith.constant 15 : i32
      %add3A_219 = arith.addi %while3A_216, %add3A_218 : i32
      %shift_right_arithmetic3A = arith.constant 4 : i32
      %shift_right_arithmetic3A_220 = arith.shrsi %add3A_219, %shift_right_arithmetic3A : i32
      %broadcast_in_dim3A_221 = arith.constant 2139095039 : i32
      "tpu.trace_start"() <{level = 10 : i32, message = "ph_bsearch"}> : () -> ()
      %broadcast_in_dim3A_222 = vector.broadcast %broadcast_in_dim3A_221 : i32 to vector<16xi32>
      %scan3A_223 = arith.constant 0 : i32
      %scan3A_224 = arith.constant 31 : i32
      %scan3A_225 = arith.addi %scan3A_223, %scan3A_224 : i32
      %scan3A_226 = arith.constant 1 : i32
      %scan3A_227:2 = scf.for %scan3A_274 = %scan3A_223 to %scan3A_225 step %scan3A_226 iter_args(%scan3A_275 = %broadcast_in_dim3A_9, %scan3A_276 = %broadcast_in_dim3A_222) -> (vector<16xi32>, vector<16xi32>)  : i32 {
        %sub3A_277 = arith.subi %scan3A_276, %scan3A_275 : vector<16xi32>
        %add3A_278 = arith.constant 1 : i32
        %add3A_279 = vector.broadcast %add3A_278 : i32 to vector<16xi32>
        %add3A_280 = arith.addi %sub3A_277, %add3A_279 : vector<16xi32>
        %shift_right_arithmetic3A_281 = arith.constant 1 : i32
        %shift_right_arithmetic3A_282 = vector.broadcast %shift_right_arithmetic3A_281 : i32 to vector<16xi32>
        %shift_right_arithmetic3A_283 = arith.shrsi %add3A_280, %shift_right_arithmetic3A_282 : vector<16xi32>
        %add3A_284 = arith.addi %scan3A_275, %shift_right_arithmetic3A_283 : vector<16xi32>
        %while3A_285 = arith.constant 0 : i32
        %while3A_286 = arith.subi %shift_right_arithmetic3A_220, %while3A_285 : i32
        %while3A_287 = arith.addi %while3A_285, %while3A_286 : i32
        %while3A_288 = arith.constant 1 : i32
        %while3A_289 = arith.divsi %while3A_286, %while3A_288 : i32
        %while3A_290 = arith.muli %while3A_289, %while3A_288 : i32
        %while3A_291 = arith.addi %while3A_285, %while3A_290 : i32
        %while3A_292 = arith.constant 1 : i32
        %while3A_293 = scf.for %while3A_301 = %while3A_285 to %while3A_291 step %while3A_292 iter_args(%while3A_302 = %broadcast_in_dim3A_9) -> (vector<16xi32>)  : i32 {
          %mul3A_303 = arith.constant 16 : i32
          %mul3A_304 = arith.muli %while3A_301, %mul3A_303 : i32
          %add3A_305 = vector.broadcast %mul3A_304 : i32 to vector<16xi32>
          %add3A_306 = arith.addi %add3A_305, %iota3A : vector<16xi32>
          %mul3A_307 = arith.constant 16 : i32
          %mul3A_308 = arith.muli %while3A_301, %mul3A_307 : i32
          %get3A_309 = arith.index_cast %mul3A_308 : i32 to index
          %get3A_310 = tpu.vector_load %arg8[%get3A_309] {strides = array<i32>} : memref<528xi32, #tpu.memory_space<vmem>>, vector<16xi32>,
          %gather3A = tpu.vector_load_idx %arg5[%get3A_310] : memref<100000xf32, #tpu.memory_space<vmem>>[vector<16xi32>], vector<16xf32>,
          %bitcast3A = vector.bitcast %gather3A : vector<16xf32> to vector<16xi32>
          %ge3A_311 = arith.cmpi sge, %bitcast3A, %add3A_284 : vector<16xi32>
          %lt3A = arith.cmpi slt, %add3A_306, %broadcast_in_dim3A_217 : vector<16xi32>
          %and3A_312 = arith.andi %ge3A_311, %lt3A : vector<16xi1>
          %all_reduce_population_count3A = tpu.all_reduce %and3A_312 {dim = 0 : i64, kind = #tpu.reduction_kind<sum>} : vector<16xi1> -> vector<16xi32>
          %add3A_313 = arith.addi %while3A_302, %all_reduce_population_count3A : vector<16xi32>
          scf.yield %add3A_313 : vector<16xi32>
        }
        %while3A_294 = arith.constant 1 : i32
        %while3A_295 = scf.for %while3A_301 = %while3A_291 to %while3A_287 step %while3A_294 iter_args(%while3A_302 = %while3A_293) -> (vector<16xi32>)  : i32 {
          %mul3A_303 = arith.constant 16 : i32
          %mul3A_304 = arith.muli %while3A_301, %mul3A_303 : i32
          %add3A_305 = vector.broadcast %mul3A_304 : i32 to vector<16xi32>
          %add3A_306 = arith.addi %add3A_305, %iota3A : vector<16xi32>
          %mul3A_307 = arith.constant 16 : i32
          %mul3A_308 = arith.muli %while3A_301, %mul3A_307 : i32
          %get3A_309 = arith.index_cast %mul3A_308 : i32 to index
          %get3A_310 = tpu.vector_load %arg8[%get3A_309] {strides = array<i32>} : memref<528xi32, #tpu.memory_space<vmem>>, vector<16xi32>,
          %gather3A = tpu.vector_load_idx %arg5[%get3A_310] : memref<100000xf32, #tpu.memory_space<vmem>>[vector<16xi32>], vector<16xf32>,
          %bitcast3A = vector.bitcast %gather3A : vector<16xf32> to vector<16xi32>
          %ge3A_311 = arith.cmpi sge, %bitcast3A, %add3A_284 : vector<16xi32>
          %lt3A = arith.cmpi slt, %add3A_306, %broadcast_in_dim3A_217 : vector<16xi32>
          %and3A_312 = arith.andi %ge3A_311, %lt3A : vector<16xi1>
          %all_reduce_population_count3A = tpu.all_reduce %and3A_312 {dim = 0 : i64, kind = #tpu.reduction_kind<sum>} : vector<16xi1> -> vector<16xi32>
          %add3A_313 = arith.addi %while3A_302, %all_reduce_population_count3A : vector<16xi32>
          scf.yield %add3A_313 : vector<16xi32>
        }
        %ge3A_296 = arith.cmpi sge, %while3A_295, %broadcast_in_dim3A_3 : vector<16xi32>
        %select_n3A = arith.select %ge3A_296, %add3A_284, %scan3A_275 : vector<16xi1>, vector<16xi32>
        %sub3A_297 = arith.constant 1 : i32
        %sub3A_298 = vector.broadcast %sub3A_297 : i32 to vector<16xi32>
        %sub3A_299 = arith.subi %add3A_284, %sub3A_298 : vector<16xi32>
        %select_n3A_300 = arith.select %ge3A_296, %scan3A_276, %sub3A_299 : vector<16xi1>, vector<16xi32>
        scf.yield %select_n3A, %select_n3A_300 : vector<16xi32>, vector<16xi32>
      }
      %scan3A_228 = arith.constant 31 : i32
      %while3A_229 = arith.constant 0 : i32
      %while3A_230 = arith.subi %shift_right_arithmetic3A_220, %while3A_229 : i32
      %while3A_231 = arith.addi %while3A_229, %while3A_230 : i32
      %while3A_232 = arith.constant 1 : i32
      %while3A_233 = arith.divsi %while3A_230, %while3A_232 : i32
      %while3A_234 = arith.muli %while3A_233, %while3A_232 : i32
      %while3A_235 = arith.addi %while3A_229, %while3A_234 : i32
      %while3A_236 = arith.constant 1 : i32
      %while3A_237 = scf.for %while3A_274 = %while3A_229 to %while3A_235 step %while3A_236 iter_args(%while3A_275 = %broadcast_in_dim3A_9) -> (vector<16xi32>)  : i32 {
        %mul3A_276 = arith.constant 16 : i32
        %mul3A_277 = arith.muli %while3A_274, %mul3A_276 : i32
        %add3A_278 = vector.broadcast %mul3A_277 : i32 to vector<16xi32>
        %add3A_279 = arith.addi %add3A_278, %iota3A : vector<16xi32>
        %mul3A_280 = arith.constant 16 : i32
        %mul3A_281 = arith.muli %while3A_274, %mul3A_280 : i32
        %get3A_282 = arith.index_cast %mul3A_281 : i32 to index
        %get3A_283 = tpu.vector_load %arg8[%get3A_282] {strides = array<i32>} : memref<528xi32, #tpu.memory_space<vmem>>, vector<16xi32>,
        %gather3A = tpu.vector_load_idx %arg5[%get3A_283] : memref<100000xf32, #tpu.memory_space<vmem>>[vector<16xi32>], vector<16xf32>,
        %bitcast3A = vector.bitcast %gather3A : vector<16xf32> to vector<16xi32>
        %ge3A_284 = arith.cmpi sge, %bitcast3A, %scan3A_227#0 : vector<16xi32>
        %lt3A = arith.cmpi slt, %add3A_279, %broadcast_in_dim3A_217 : vector<16xi32>
        %and3A_285 = arith.andi %ge3A_284, %lt3A : vector<16xi1>
        %all_reduce_population_count3A = tpu.all_reduce %and3A_285 {dim = 0 : i64, kind = #tpu.reduction_kind<sum>} : vector<16xi1> -> vector<16xi32>
        %add3A_286 = arith.addi %while3A_275, %all_reduce_population_count3A : vector<16xi32>
        scf.yield %add3A_286 : vector<16xi32>
      }
      %while3A_238 = arith.constant 1 : i32
      %while3A_239 = scf.for %while3A_274 = %while3A_235 to %while3A_231 step %while3A_238 iter_args(%while3A_275 = %while3A_237) -> (vector<16xi32>)  : i32 {
        %mul3A_276 = arith.constant 16 : i32
        %mul3A_277 = arith.muli %while3A_274, %mul3A_276 : i32
        %add3A_278 = vector.broadcast %mul3A_277 : i32 to vector<16xi32>
        %add3A_279 = arith.addi %add3A_278, %iota3A : vector<16xi32>
        %mul3A_280 = arith.constant 16 : i32
        %mul3A_281 = arith.muli %while3A_274, %mul3A_280 : i32
        %get3A_282 = arith.index_cast %mul3A_281 : i32 to index
        %get3A_283 = tpu.vector_load %arg8[%get3A_282] {strides = array<i32>} : memref<528xi32, #tpu.memory_space<vmem>>, vector<16xi32>,
        %gather3A = tpu.vector_load_idx %arg5[%get3A_283] : memref<100000xf32, #tpu.memory_space<vmem>>[vector<16xi32>], vector<16xf32>,
        %bitcast3A = vector.bitcast %gather3A : vector<16xf32> to vector<16xi32>
        %ge3A_284 = arith.cmpi sge, %bitcast3A, %scan3A_227#0 : vector<16xi32>
        %lt3A = arith.cmpi slt, %add3A_279, %broadcast_in_dim3A_217 : vector<16xi32>
        %and3A_285 = arith.andi %ge3A_284, %lt3A : vector<16xi1>
        %all_reduce_population_count3A = tpu.all_reduce %and3A_285 {dim = 0 : i64, kind = #tpu.reduction_kind<sum>} : vector<16xi1> -> vector<16xi32>
        %add3A_286 = arith.addi %while3A_275, %all_reduce_population_count3A : vector<16xi32>
        scf.yield %add3A_286 : vector<16xi32>
      }
      %sub3A_240 = arith.subi %while3A_239, %broadcast_in_dim3A_3 : vector<16xi32>
      "tpu.trace_stop"() : () -> ()
      %and3A = arith.constant 1 : i32
      %and3A_241 = arith.andi %scan3A_134, %and3A : i32
      %mul3A_242 = arith.constant 256 : i32
      %mul3A_243 = arith.muli %and3A_241, %mul3A_242 : i32
      %gt3A = arith.constant 0 : i32
      %gt3A_244 = arith.cmpi sgt, %scan3A_134, %gt3A : i32
      %convert_element_type3A_245 = arith.extui %gt3A_244 : i1 to i32
      %cond3A = arith.constant 0 : i32
      %cond3A_246 = arith.cmpi ne, %convert_element_type3A_245, %cond3A : i32
      scf.if %cond3A_246 {
        %sub3A_274 = arith.constant 1 : i32
        %sub3A_275 = arith.subi %add3A_135, %sub3A_274 : i32
        %sub3A_276 = arith.constant 256 : i32
        %sub3A_277 = arith.subi %sub3A_276, %mul3A_243 : i32
        %broadcast_in_dim3A_278 = arith.constant 0.000000e+00 : f32
        %broadcast_in_dim3A_279 = vector.broadcast %broadcast_in_dim3A_278 : f32 to vector<16xf32>
        %broadcast_in_dim3A_280 = arith.constant 0.000000e+00 : f32
        %broadcast_in_dim3A_281 = vector.broadcast %broadcast_in_dim3A_280 : f32 to vector<16xf32>
        %broadcast_in_dim3A_282 = arith.constant 0.000000e+00 : f32
        %broadcast_in_dim3A_283 = vector.broadcast %broadcast_in_dim3A_282 : f32 to vector<16xf32>
        %broadcast_in_dim3A_284 = arith.constant 0.000000e+00 : f32
        %broadcast_in_dim3A_285 = vector.broadcast %broadcast_in_dim3A_284 : f32 to vector<16xf32>
        %broadcast_in_dim3A_286 = arith.constant 0.000000e+00 : f32
        %broadcast_in_dim3A_287 = vector.broadcast %broadcast_in_dim3A_286 : f32 to vector<16xf32>
        %broadcast_in_dim3A_288 = arith.constant 0.000000e+00 : f32
        %broadcast_in_dim3A_289 = vector.broadcast %broadcast_in_dim3A_288 : f32 to vector<16xf32>
        %broadcast_in_dim3A_290 = arith.constant 0.000000e+00 : f32
        %broadcast_in_dim3A_291 = vector.broadcast %broadcast_in_dim3A_290 : f32 to vector<16xf32>
        %broadcast_in_dim3A_292 = arith.constant 0.000000e+00 : f32
        %broadcast_in_dim3A_293 = vector.broadcast %broadcast_in_dim3A_292 : f32 to vector<16xf32>
        "tpu.trace_start"() <{level = 10 : i32, message = "ph_gwait"}> : () -> ()
        %dma_wait3A_294 = tpu.memref_slice %arg11[%sub3A_277] : memref<512xi32, #tpu.memory_space<vmem>> -> memref<128xi32, #tpu.memory_space<vmem>>
        %dma_wait3A_295 = arith.constant 0 : i32
        %dma_wait3A_296 = arith.constant 0 : i32
        %dma_wait3A_297 = tpu.memref_slice %arg3[%dma_wait3A_295, %dma_wait3A_296] : memref<100000x128xf32, #tpu.memory_space<hbm>> -> memref<100000x128xf32, #tpu.memory_space<hbm>>
        tpu.wait_indirect_dma semaphore(%arg14 : memref<!tpu.dma_semaphore, #tpu.memory_space<semaphore_mem>>) src(%dma_wait3A_297 : memref<100000x128xf32, #tpu.memory_space<hbm>>) dst(%arg12 : memref<128x128xf32, #tpu.memory_space<vmem>>)
        "tpu.trace_stop"() : () -> ()
        "tpu.trace_start"() <{level = 10 : i32, message = "ph_acc"}> : () -> ()
        %scan3A_298 = arith.constant 0 : i32
        %scan3A_299 = arith.constant 128 : i32
        %scan3A_300 = arith.addi %scan3A_298, %scan3A_299 : i32
        %scan3A_301 = arith.constant 1 : i32
        %scan3A_302:8 = scf.for %scan3A_366 = %scan3A_298 to %scan3A_300 step %scan3A_301 iter_args(%scan3A_367 = %broadcast_in_dim3A_279, %scan3A_368 = %broadcast_in_dim3A_281, %scan3A_369 = %broadcast_in_dim3A_283, %scan3A_370 = %broadcast_in_dim3A_285, %scan3A_371 = %broadcast_in_dim3A_287, %scan3A_372 = %broadcast_in_dim3A_289, %scan3A_373 = %broadcast_in_dim3A_291, %scan3A_374 = %broadcast_in_dim3A_293) -> (vector<16xf32>, vector<16xf32>, vector<16xf32>, vector<16xf32>, vector<16xf32>, vector<16xf32>, vector<16xf32>, vector<16xf32>)  : i32 {
          %add3A_375 = arith.addi %sub3A_277, %scan3A_366 : i32
          %broadcast_in_dim3A_376 = vector.broadcast %add3A_375 : i32 to vector<16xi32>
          %gather3A = tpu.vector_load_idx %arg10[%broadcast_in_dim3A_376] : memref<512xf32, #tpu.memory_space<vmem>>[vector<16xi32>], vector<16xf32>,
          %get3A_377 = arith.index_cast %scan3A_366 : i32 to index
          %get3A_378 = arith.constant 0 : index
          %get3A_379 = tpu.vector_load %arg12[%get3A_377, %get3A_378] {strides = array<i32>} : memref<128x128xf32, #tpu.memory_space<vmem>>, vector<16xf32>,
          %mul3A_380 = arith.mulf %gather3A, %get3A_379 : vector<16xf32>
          %add3A_381 = arith.addf %scan3A_367, %mul3A_380 : vector<16xf32>
          %get3A_382 = arith.index_cast %scan3A_366 : i32 to index
          %get3A_383 = arith.constant 16 : index
          %get3A_384 = tpu.vector_load %arg12[%get3A_382, %get3A_383] {strides = array<i32>} : memref<128x128xf32, #tpu.memory_space<vmem>>, vector<16xf32>,
          %mul3A_385 = arith.mulf %gather3A, %get3A_384 : vector<16xf32>
          %add3A_386 = arith.addf %scan3A_368, %mul3A_385 : vector<16xf32>
          %get3A_387 = arith.index_cast %scan3A_366 : i32 to index
          %get3A_388 = arith.constant 32 : index
          %get3A_389 = tpu.vector_load %arg12[%get3A_387, %get3A_388] {strides = array<i32>} : memref<128x128xf32, #tpu.memory_space<vmem>>, vector<16xf32>,
          %mul3A_390 = arith.mulf %gather3A, %get3A_389 : vector<16xf32>
          %add3A_391 = arith.addf %scan3A_369, %mul3A_390 : vector<16xf32>
          %get3A_392 = arith.index_cast %scan3A_366 : i32 to index
          %get3A_393 = arith.constant 48 : index
          %get3A_394 = tpu.vector_load %arg12[%get3A_392, %get3A_393] {strides = array<i32>} : memref<128x128xf32, #tpu.memory_space<vmem>>, vector<16xf32>,
          %mul3A_395 = arith.mulf %gather3A, %get3A_394 : vector<16xf32>
          %add3A_396 = arith.addf %scan3A_370, %mul3A_395 : vector<16xf32>
          %get3A_397 = arith.index_cast %scan3A_366 : i32 to index
          %get3A_398 = arith.constant 64 : index
          %get3A_399 = tpu.vector_load %arg12[%get3A_397, %get3A_398] {strides = array<i32>} : memref<128x128xf32, #tpu.memory_space<vmem>>, vector<16xf32>,
          %mul3A_400 = arith.mulf %gather3A, %get3A_399 : vector<16xf32>
          %add3A_401 = arith.addf %scan3A_371, %mul3A_400 : vector<16xf32>
          %get3A_402 = arith.index_cast %scan3A_366 : i32 to index
          %get3A_403 = arith.constant 80 : index
          %get3A_404 = tpu.vector_load %arg12[%get3A_402, %get3A_403] {strides = array<i32>} : memref<128x128xf32, #tpu.memory_space<vmem>>, vector<16xf32>,
          %mul3A_405 = arith.mulf %gather3A, %get3A_404 : vector<16xf32>
          %add3A_406 = arith.addf %scan3A_372, %mul3A_405 : vector<16xf32>
          %get3A_407 = arith.index_cast %scan3A_366 : i32 to index
          %get3A_408 = arith.constant 96 : index
          %get3A_409 = tpu.vector_load %arg12[%get3A_407, %get3A_408] {strides = array<i32>} : memref<128x128xf32, #tpu.memory_space<vmem>>, vector<16xf32>,
          %mul3A_410 = arith.mulf %gather3A, %get3A_409 : vector<16xf32>
          %add3A_411 = arith.addf %scan3A_373, %mul3A_410 : vector<16xf32>
          %get3A_412 = arith.index_cast %scan3A_366 : i32 to index
          %get3A_413 = arith.constant 112 : index
          %get3A_414 = tpu.vector_load %arg12[%get3A_412, %get3A_413] {strides = array<i32>} : memref<128x128xf32, #tpu.memory_space<vmem>>, vector<16xf32>,
          %mul3A_415 = arith.mulf %gather3A, %get3A_414 : vector<16xf32>
          %add3A_416 = arith.addf %scan3A_374, %mul3A_415 : vector<16xf32>
          scf.yield %add3A_381, %add3A_386, %add3A_391, %add3A_396, %add3A_401, %add3A_406, %add3A_411, %add3A_416 : vector<16xf32>, vector<16xf32>, vector<16xf32>, vector<16xf32>, vector<16xf32>, vector<16xf32>, vector<16xf32>, vector<16xf32>
        }
        %scan3A_303 = arith.constant 128 : i32
        "tpu.trace_stop"() : () -> ()
        "tpu.trace_start"() <{level = 10 : i32, message = "ph_gwait2"}> : () -> ()
        %add3A_304 = arith.constant 128 : i32
        %add3A_305 = arith.addi %sub3A_277, %add3A_304 : i32
        %dma_start3A_306 = arith.constant 0 : i32
        %dma_start3A_307 = arith.constant 0 : i32
        %dma_start3A_308 = tpu.memref_slice %arg12[%dma_start3A_306, %dma_start3A_307] : memref<128x128xf32, #tpu.memory_space<vmem>> -> memref<72x128xf32, #tpu.memory_space<vmem>>
        %dma_start3A_309 = tpu.memref_slice %arg11[%add3A_305] : memref<512xi32, #tpu.memory_space<vmem>> -> memref<72xi32, #tpu.memory_space<vmem>>
        %dma_start3A_310 = arith.constant 0 : i32
        %dma_start3A_311 = arith.constant 0 : i32
        %dma_start3A_312 = tpu.memref_slice %arg3[%dma_start3A_310, %dma_start3A_311] : memref<100000x128xf32, #tpu.memory_space<hbm>> -> memref<100000x128xf32, #tpu.memory_space<hbm>>
        tpu.enqueue_indirect_dma source(%dma_start3A_312 : memref<100000x128xf32, #tpu.memory_space<hbm>>) target(%dma_start3A_308 : memref<72x128xf32, #tpu.memory_space<vmem>>) offsets(%dma_start3A_309 : memref<72xi32, #tpu.memory_space<vmem>>) semaphore(%arg15 : memref<!tpu.dma_semaphore, #tpu.memory_space<semaphore_mem>>)
        %dma_wait3A_313 = arith.constant 0 : i32
        %dma_wait3A_314 = arith.constant 0 : i32
        %dma_wait3A_315 = tpu.memref_slice %arg12[%dma_wait3A_313, %dma_wait3A_314] : memref<128x128xf32, #tpu.memory_space<vmem>> -> memref<72x128xf32, #tpu.memory_space<vmem>>
        %dma_wait3A_316 = tpu.memref_slice %arg11[%add3A_305] : memref<512xi32, #tpu.memory_space<vmem>> -> memref<72xi32, #tpu.memory_space<vmem>>
        %dma_wait3A_317 = arith.constant 0 : i32
        %dma_wait3A_318 = arith.constant 0 : i32
        %dma_wait3A_319 = tpu.memref_slice %arg3[%dma_wait3A_317, %dma_wait3A_318] : memref<100000x128xf32, #tpu.memory_space<hbm>> -> memref<100000x128xf32, #tpu.memory_space<hbm>>
        tpu.wait_indirect_dma semaphore(%arg15 : memref<!tpu.dma_semaphore, #tpu.memory_space<semaphore_mem>>) src(%dma_wait3A_319 : memref<100000x128xf32, #tpu.memory_space<hbm>>) dst(%dma_wait3A_315 : memref<72x128xf32, #tpu.memory_space<vmem>>)
        "tpu.trace_stop"() : () -> ()
        "tpu.trace_start"() <{level = 10 : i32, message = "ph_acc"}> : () -> ()
        %scan3A_320 = arith.constant 0 : i32
        %scan3A_321 = arith.constant 72 : i32
        %scan3A_322 = arith.addi %scan3A_320, %scan3A_321 : i32
        %scan3A_323 = arith.constant 1 : i32
        %scan3A_324:8 = scf.for %scan3A_366 = %scan3A_320 to %scan3A_322 step %scan3A_323 iter_args(%scan3A_367 = %scan3A_302#0, %scan3A_368 = %scan3A_302#1, %scan3A_369 = %scan3A_302#2, %scan3A_370 = %scan3A_302#3, %scan3A_371 = %scan3A_302#4, %scan3A_372 = %scan3A_302#5, %scan3A_373 = %scan3A_302#6, %scan3A_374 = %scan3A_302#7) -> (vector<16xf32>, vector<16xf32>, vector<16xf32>, vector<16xf32>, vector<16xf32>, vector<16xf32>, vector<16xf32>, vector<16xf32>)  : i32 {
          %add3A_375 = arith.constant 128 : i32
          %add3A_376 = arith.addi %sub3A_277, %add3A_375 : i32
          %add3A_377 = arith.addi %add3A_376, %scan3A_366 : i32
          %broadcast_in_dim3A_378 = vector.broadcast %add3A_377 : i32 to vector<16xi32>
          %gather3A = tpu.vector_load_idx %arg10[%broadcast_in_dim3A_378] : memref<512xf32, #tpu.memory_space<vmem>>[vector<16xi32>], vector<16xf32>,
          %get3A_379 = arith.index_cast %scan3A_366 : i32 to index
          %get3A_380 = arith.constant 0 : index
          %get3A_381 = tpu.vector_load %arg12[%get3A_379, %get3A_380] {strides = array<i32>} : memref<128x128xf32, #tpu.memory_space<vmem>>, vector<16xf32>,
          %mul3A_382 = arith.mulf %gather3A, %get3A_381 : vector<16xf32>
          %add3A_383 = arith.addf %scan3A_367, %mul3A_382 : vector<16xf32>
          %get3A_384 = arith.index_cast %scan3A_366 : i32 to index
          %get3A_385 = arith.constant 16 : index
          %get3A_386 = tpu.vector_load %arg12[%get3A_384, %get3A_385] {strides = array<i32>} : memref<128x128xf32, #tpu.memory_space<vmem>>, vector<16xf32>,
          %mul3A_387 = arith.mulf %gather3A, %get3A_386 : vector<16xf32>
          %add3A_388 = arith.addf %scan3A_368, %mul3A_387 : vector<16xf32>
          %get3A_389 = arith.index_cast %scan3A_366 : i32 to index
          %get3A_390 = arith.constant 32 : index
          %get3A_391 = tpu.vector_load %arg12[%get3A_389, %get3A_390] {strides = array<i32>} : memref<128x128xf32, #tpu.memory_space<vmem>>, vector<16xf32>,
          %mul3A_392 = arith.mulf %gather3A, %get3A_391 : vector<16xf32>
          %add3A_393 = arith.addf %scan3A_369, %mul3A_392 : vector<16xf32>
          %get3A_394 = arith.index_cast %scan3A_366 : i32 to index
          %get3A_395 = arith.constant 48 : index
          %get3A_396 = tpu.vector_load %arg12[%get3A_394, %get3A_395] {strides = array<i32>} : memref<128x128xf32, #tpu.memory_space<vmem>>, vector<16xf32>,
          %mul3A_397 = arith.mulf %gather3A, %get3A_396 : vector<16xf32>
          %add3A_398 = arith.addf %scan3A_370, %mul3A_397 : vector<16xf32>
          %get3A_399 = arith.index_cast %scan3A_366 : i32 to index
          %get3A_400 = arith.constant 64 : index
          %get3A_401 = tpu.vector_load %arg12[%get3A_399, %get3A_400] {strides = array<i32>} : memref<128x128xf32, #tpu.memory_space<vmem>>, vector<16xf32>,
          %mul3A_402 = arith.mulf %gather3A, %get3A_401 : vector<16xf32>
          %add3A_403 = arith.addf %scan3A_371, %mul3A_402 : vector<16xf32>
          %get3A_404 = arith.index_cast %scan3A_366 : i32 to index
          %get3A_405 = arith.constant 80 : index
          %get3A_406 = tpu.vector_load %arg12[%get3A_404, %get3A_405] {strides = array<i32>} : memref<128x128xf32, #tpu.memory_space<vmem>>, vector<16xf32>,
          %mul3A_407 = arith.mulf %gather3A, %get3A_406 : vector<16xf32>
          %add3A_408 = arith.addf %scan3A_372, %mul3A_407 : vector<16xf32>
          %get3A_409 = arith.index_cast %scan3A_366 : i32 to index
          %get3A_410 = arith.constant 96 : index
          %get3A_411 = tpu.vector_load %arg12[%get3A_409, %get3A_410] {strides = array<i32>} : memref<128x128xf32, #tpu.memory_space<vmem>>, vector<16xf32>,
          %mul3A_412 = arith.mulf %gather3A, %get3A_411 : vector<16xf32>
          %add3A_413 = arith.addf %scan3A_373, %mul3A_412 : vector<16xf32>
          %get3A_414 = arith.index_cast %scan3A_366 : i32 to index
          %get3A_415 = arith.constant 112 : index
          %get3A_416 = tpu.vector_load %arg12[%get3A_414, %get3A_415] {strides = array<i32>} : memref<128x128xf32, #tpu.memory_space<vmem>>, vector<16xf32>,
          %mul3A_417 = arith.mulf %gather3A, %get3A_416 : vector<16xf32>
          %add3A_418 = arith.addf %scan3A_374, %mul3A_417 : vector<16xf32>
          scf.yield %add3A_383, %add3A_388, %add3A_393, %add3A_398, %add3A_403, %add3A_408, %add3A_413, %add3A_418 : vector<16xf32>, vector<16xf32>, vector<16xf32>, vector<16xf32>, vector<16xf32>, vector<16xf32>, vector<16xf32>, vector<16xf32>
        }
        %scan3A_325 = arith.constant 72 : i32
        "tpu.trace_stop"() : () -> ()
        "tpu.trace_start"() <{level = 10 : i32, message = "ph_out"}> : () -> ()
        %mul3A_326 = arith.constant 5.000000e-03 : f32
        %mul3A_327 = vector.broadcast %mul3A_326 : f32 to vector<16xf32>
        %mul3A_328 = arith.mulf %scan3A_324#0, %mul3A_327 : vector<16xf32>
        %swap3A_329 = arith.constant 0 : index
        %swap3A_330 = tpu.vector_load %arg13[%swap3A_329] {strides = array<i32>} : memref<128xf32, #tpu.memory_space<vmem>>, vector<16xf32>,
        tpu.vector_store %arg13[%swap3A_329], %mul3A_328 {strides = array<i32>} : memref<128xf32, #tpu.memory_space<vmem>>, vector<16xf32>,
        %mul3A_331 = arith.constant 5.000000e-03 : f32
        %mul3A_332 = vector.broadcast %mul3A_331 : f32 to vector<16xf32>
        %mul3A_333 = arith.mulf %scan3A_324#1, %mul3A_332 : vector<16xf32>
        %swap3A_334 = arith.constant 16 : index
        %swap3A_335 = tpu.vector_load %arg13[%swap3A_334] {strides = array<i32>} : memref<128xf32, #tpu.memory_space<vmem>>, vector<16xf32>,
        tpu.vector_store %arg13[%swap3A_334], %mul3A_333 {strides = array<i32>} : memref<128xf32, #tpu.memory_space<vmem>>, vector<16xf32>,
        %mul3A_336 = arith.constant 5.000000e-03 : f32
        %mul3A_337 = vector.broadcast %mul3A_336 : f32 to vector<16xf32>
        %mul3A_338 = arith.mulf %scan3A_324#2, %mul3A_337 : vector<16xf32>
        %swap3A_339 = arith.constant 32 : index
        %swap3A_340 = tpu.vector_load %arg13[%swap3A_339] {strides = array<i32>} : memref<128xf32, #tpu.memory_space<vmem>>, vector<16xf32>,
        tpu.vector_store %arg13[%swap3A_339], %mul3A_338 {strides = array<i32>} : memref<128xf32, #tpu.memory_space<vmem>>, vector<16xf32>,
        %mul3A_341 = arith.constant 5.000000e-03 : f32
        %mul3A_342 = vector.broadcast %mul3A_341 : f32 to vector<16xf32>
        %mul3A_343 = arith.mulf %scan3A_324#3, %mul3A_342 : vector<16xf32>
        %swap3A_344 = arith.constant 48 : index
        %swap3A_345 = tpu.vector_load %arg13[%swap3A_344] {strides = array<i32>} : memref<128xf32, #tpu.memory_space<vmem>>, vector<16xf32>,
        tpu.vector_store %arg13[%swap3A_344], %mul3A_343 {strides = array<i32>} : memref<128xf32, #tpu.memory_space<vmem>>, vector<16xf32>,
        %mul3A_346 = arith.constant 5.000000e-03 : f32
        %mul3A_347 = vector.broadcast %mul3A_346 : f32 to vector<16xf32>
        %mul3A_348 = arith.mulf %scan3A_324#4, %mul3A_347 : vector<16xf32>
        %swap3A_349 = arith.constant 64 : index
        %swap3A_350 = tpu.vector_load %arg13[%swap3A_349] {strides = array<i32>} : memref<128xf32, #tpu.memory_space<vmem>>, vector<16xf32>,
        tpu.vector_store %arg13[%swap3A_349], %mul3A_348 {strides = array<i32>} : memref<128xf32, #tpu.memory_space<vmem>>, vector<16xf32>,
        %mul3A_351 = arith.constant 5.000000e-03 : f32
        %mul3A_352 = vector.broadcast %mul3A_351 : f32 to vector<16xf32>
        %mul3A_353 = arith.mulf %scan3A_324#5, %mul3A_352 : vector<16xf32>
        %swap3A_354 = arith.constant 80 : index
        %swap3A_355 = tpu.vector_load %arg13[%swap3A_354] {strides = array<i32>} : memref<128xf32, #tpu.memory_space<vmem>>, vector<16xf32>,
        tpu.vector_store %arg13[%swap3A_354], %mul3A_353 {strides = array<i32>} : memref<128xf32, #tpu.memory_space<vmem>>, vector<16xf32>,
        %mul3A_356 = arith.constant 5.000000e-03 : f32
        %mul3A_357 = vector.broadcast %mul3A_356 : f32 to vector<16xf32>
        %mul3A_358 = arith.mulf %scan3A_324#6, %mul3A_357 : vector<16xf32>
        %swap3A_359 = arith.constant 96 : index
        %swap3A_360 = tpu.vector_load %arg13[%swap3A_359] {strides = array<i32>} : memref<128xf32, #tpu.memory_space<vmem>>, vector<16xf32>,
        tpu.vector_store %arg13[%swap3A_359], %mul3A_358 {strides = array<i32>} : memref<128xf32, #tpu.memory_space<vmem>>, vector<16xf32>,
        %mul3A_361 = arith.constant 5.000000e-03 : f32
        %mul3A_362 = vector.broadcast %mul3A_361 : f32 to vector<16xf32>
        %mul3A_363 = arith.mulf %scan3A_324#7, %mul3A_362 : vector<16xf32>
        %swap3A_364 = arith.constant 112 : index
        %swap3A_365 = tpu.vector_load %arg13[%swap3A_364] {strides = array<i32>} : memref<128xf32, #tpu.memory_space<vmem>>, vector<16xf32>,
        tpu.vector_store %arg13[%swap3A_364], %mul3A_363 {strides = array<i32>} : memref<128xf32, #tpu.memory_space<vmem>>, vector<16xf32>,
        "tpu.region"() ({
          %run_scoped3A = tpu.sem_alloc : memref<!tpu.dma_semaphore, #tpu.memory_space<semaphore_mem>>
          %dma_start3A_366 = arith.constant 0 : i32
          %dma_start3A_367 = tpu.memref_slice %arg4[%sub3A_275, %dma_start3A_366] : memref<1024x128xf32, #tpu.memory_space<hbm>> -> memref<1x128xf32, #tpu.memory_space<hbm>>
          %dma_start3A_368 = tpu.memref_squeeze %dma_start3A_367 : memref<1x128xf32, #tpu.memory_space<hbm>> -> memref<128xf32, #tpu.memory_space<hbm>>
          %dma_start3A_369 = arith.constant 0 : i32
          %dma_start3A_370 = tpu.memref_slice %arg4[%sub3A_275, %dma_start3A_369] : memref<1024x128xf32, #tpu.memory_space<hbm>> -> memref<1x128xf32, #tpu.memory_space<hbm>>
          %dma_start3A_371 = tpu.memref_squeeze %dma_start3A_370 : memref<1x128xf32, #tpu.memory_space<hbm>> -> memref<128xf32, #tpu.memory_space<hbm>>
          tpu.enqueue_dma source(%arg13 : memref<128xf32, #tpu.memory_space<vmem>>) target(%dma_start3A_371 : memref<128xf32, #tpu.memory_space<hbm>>) target_semaphore(%run_scoped3A : memref<!tpu.dma_semaphore, #tpu.memory_space<semaphore_mem>>)
          %dma_wait3A_372 = arith.constant 0 : i32
          %dma_wait3A_373 = tpu.memref_slice %arg4[%sub3A_275, %dma_wait3A_372] : memref<1024x128xf32, #tpu.memory_space<hbm>> -> memref<1x128xf32, #tpu.memory_space<hbm>>
          %dma_wait3A_374 = tpu.memref_squeeze %dma_wait3A_373 : memref<1x128xf32, #tpu.memory_space<hbm>> -> memref<128xf32, #tpu.memory_space<hbm>>
          %dma_wait3A_375 = arith.constant 0 : i32
          %dma_wait3A_376 = tpu.memref_slice %arg4[%sub3A_275, %dma_wait3A_375] : memref<1024x128xf32, #tpu.memory_space<hbm>> -> memref<1x128xf32, #tpu.memory_space<hbm>>
          %dma_wait3A_377 = tpu.memref_squeeze %dma_wait3A_376 : memref<1x128xf32, #tpu.memory_space<hbm>> -> memref<128xf32, #tpu.memory_space<hbm>>
          tpu.wait_dma2 semaphore(%run_scoped3A : memref<!tpu.dma_semaphore, #tpu.memory_space<semaphore_mem>>) src(%arg13 : memref<128xf32, #tpu.memory_space<vmem>>) dst(%dma_wait3A_377 : memref<128xf32, #tpu.memory_space<hbm>>)
          tpu.yield
        }) : () -> ()
        "tpu.trace_stop"() : () -> ()
      } else {
      }
      %while3A_247 = arith.constant 0 : i32
      "tpu.trace_start"() <{level = 10 : i32, message = "ph_select"}> : () -> ()
      %while3A_248 = arith.subi %shift_right_arithmetic3A_220, %while3A_247 : i32
      %while3A_249 = arith.addi %while3A_247, %while3A_248 : i32
      %while3A_250 = arith.constant 1 : i32
      %while3A_251 = arith.divsi %while3A_248, %while3A_250 : i32
      %while3A_252 = arith.muli %while3A_251, %while3A_250 : i32
      %while3A_253 = arith.addi %while3A_247, %while3A_252 : i32
      %while3A_254 = arith.constant 1 : i32
      %while3A_255:2 = scf.for %while3A_274 = %while3A_247 to %while3A_253 step %while3A_254 iter_args(%while3A_275 = %broadcast_in_dim3A_9, %while3A_276 = %broadcast_in_dim3A_9) -> (vector<16xi32>, vector<16xi32>)  : i32 {
        %mul3A_277 = arith.constant 16 : i32
        %mul3A_278 = arith.muli %while3A_274, %mul3A_277 : i32
        %add3A_279 = vector.broadcast %mul3A_278 : i32 to vector<16xi32>
        %add3A_280 = arith.addi %add3A_279, %iota3A : vector<16xi32>
        %mul3A_281 = arith.constant 16 : i32
        %mul3A_282 = arith.muli %while3A_274, %mul3A_281 : i32
        %get3A_283 = arith.index_cast %mul3A_282 : i32 to index
        %get3A_284 = tpu.vector_load %arg8[%get3A_283] {strides = array<i32>} : memref<528xi32, #tpu.memory_space<vmem>>, vector<16xi32>,
        %gather3A = tpu.vector_load_idx %arg5[%get3A_284] : memref<100000xf32, #tpu.memory_space<vmem>>[vector<16xi32>], vector<16xf32>,
        %bitcast3A = vector.bitcast %gather3A : vector<16xf32> to vector<16xi32>
        %lt3A = arith.cmpi slt, %add3A_280, %broadcast_in_dim3A_217 : vector<16xi32>
        %gt3A_285 = arith.cmpi sgt, %bitcast3A, %scan3A_227#0 : vector<16xi32>
        %and3A_286 = arith.andi %gt3A_285, %lt3A : vector<16xi1>
        %eq3A = arith.cmpi eq, %bitcast3A, %scan3A_227#0 : vector<16xi32>
        %and3A_287 = arith.andi %eq3A, %lt3A : vector<16xi1>
        %convert_element_type3A_288 = arith.extui %and3A_287 : vector<16xi1> to vector<16xi32>
        %broadcast_in_dim3A_289 = arith.constant true
        %broadcast_in_dim3A_290 = vector.broadcast %broadcast_in_dim3A_289 : i1 to vector<16xi1>
        %masked_cumsum3A_291 = tpu.scan <sum>, %convert_element_type3A_288 masked %broadcast_in_dim3A_290 : vector<16xi32>, vector<16xi1> -> vector<16xi32>
        %add3A_292 = arith.addi %while3A_276, %masked_cumsum3A_291 : vector<16xi32>
        %gt3A_293 = arith.cmpi sgt, %add3A_292, %sub3A_240 : vector<16xi32>
        %and3A_294 = arith.andi %and3A_287, %gt3A_293 : vector<16xi1>
        %or3A = arith.ori %and3A_286, %and3A_294 : vector<16xi1>
        %convert_element_type3A_295 = arith.extui %or3A : vector<16xi1> to vector<16xi32>
        %broadcast_in_dim3A_296 = arith.constant true
        %broadcast_in_dim3A_297 = vector.broadcast %broadcast_in_dim3A_296 : i1 to vector<16xi1>
        %masked_cumsum3A_298 = tpu.scan <sum>, %convert_element_type3A_295 masked %broadcast_in_dim3A_297 : vector<16xi32>, vector<16xi1> -> vector<16xi32>
        %add3A_299 = vector.broadcast %mul3A_243 : i32 to vector<16xi32>
        %add3A_300 = arith.addi %add3A_299, %while3A_275 : vector<16xi32>
        %add3A_301 = arith.addi %add3A_300, %masked_cumsum3A_298 : vector<16xi32>
        %sub3A_302 = arith.constant 1 : i32
        %sub3A_303 = vector.broadcast %sub3A_302 : i32 to vector<16xi32>
        %sub3A_304 = arith.subi %add3A_301, %sub3A_303 : vector<16xi32>
        tpu.vector_store_idx %arg10[%sub3A_304], %gather3A masked %or3A : memref<512xf32, #tpu.memory_space<vmem>>[vector<16xi32>], vector<16xf32>, vector<16xi1>
        tpu.vector_store_idx %arg11[%sub3A_304], %get3A_284 masked %or3A : memref<512xi32, #tpu.memory_space<vmem>>[vector<16xi32>], vector<16xi32>, vector<16xi1>
        %all_reduce_population_count3A = tpu.all_reduce %or3A {dim = 0 : i64, kind = #tpu.reduction_kind<sum>} : vector<16xi1> -> vector<16xi32>
        %add3A_305 = arith.addi %while3A_275, %all_reduce_population_count3A : vector<16xi32>
        %all_reduce_population_count3A_306 = tpu.all_reduce %and3A_287 {dim = 0 : i64, kind = #tpu.reduction_kind<sum>} : vector<16xi1> -> vector<16xi32>
        %add3A_307 = arith.addi %while3A_276, %all_reduce_population_count3A_306 : vector<16xi32>
        scf.yield %add3A_305, %add3A_307 : vector<16xi32>, vector<16xi32>
      }
      %while3A_256 = arith.constant 1 : i32
      %while3A_257:2 = scf.for %while3A_274 = %while3A_253 to %while3A_249 step %while3A_256 iter_args(%while3A_275 = %while3A_255#0, %while3A_276 = %while3A_255#1) -> (vector<16xi32>, vector<16xi32>)  : i32 {
        %mul3A_277 = arith.constant 16 : i32
        %mul3A_278 = arith.muli %while3A_274, %mul3A_277 : i32
        %add3A_279 = vector.broadcast %mul3A_278 : i32 to vector<16xi32>
        %add3A_280 = arith.addi %add3A_279, %iota3A : vector<16xi32>
        %mul3A_281 = arith.constant 16 : i32
        %mul3A_282 = arith.muli %while3A_274, %mul3A_281 : i32
        %get3A_283 = arith.index_cast %mul3A_282 : i32 to index
        %get3A_284 = tpu.vector_load %arg8[%get3A_283] {strides = array<i32>} : memref<528xi32, #tpu.memory_space<vmem>>, vector<16xi32>,
        %gather3A = tpu.vector_load_idx %arg5[%get3A_284] : memref<100000xf32, #tpu.memory_space<vmem>>[vector<16xi32>], vector<16xf32>,
        %bitcast3A = vector.bitcast %gather3A : vector<16xf32> to vector<16xi32>
        %lt3A = arith.cmpi slt, %add3A_280, %broadcast_in_dim3A_217 : vector<16xi32>
        %gt3A_285 = arith.cmpi sgt, %bitcast3A, %scan3A_227#0 : vector<16xi32>
        %and3A_286 = arith.andi %gt3A_285, %lt3A : vector<16xi1>
        %eq3A = arith.cmpi eq, %bitcast3A, %scan3A_227#0 : vector<16xi32>
        %and3A_287 = arith.andi %eq3A, %lt3A : vector<16xi1>
        %convert_element_type3A_288 = arith.extui %and3A_287 : vector<16xi1> to vector<16xi32>
        %broadcast_in_dim3A_289 = arith.constant true
        %broadcast_in_dim3A_290 = vector.broadcast %broadcast_in_dim3A_289 : i1 to vector<16xi1>
        %masked_cumsum3A_291 = tpu.scan <sum>, %convert_element_type3A_288 masked %broadcast_in_dim3A_290 : vector<16xi32>, vector<16xi1> -> vector<16xi32>
        %add3A_292 = arith.addi %while3A_276, %masked_cumsum3A_291 : vector<16xi32>
        %gt3A_293 = arith.cmpi sgt, %add3A_292, %sub3A_240 : vector<16xi32>
        %and3A_294 = arith.andi %and3A_287, %gt3A_293 : vector<16xi1>
        %or3A = arith.ori %and3A_286, %and3A_294 : vector<16xi1>
        %convert_element_type3A_295 = arith.extui %or3A : vector<16xi1> to vector<16xi32>
        %broadcast_in_dim3A_296 = arith.constant true
        %broadcast_in_dim3A_297 = vector.broadcast %broadcast_in_dim3A_296 : i1 to vector<16xi1>
        %masked_cumsum3A_298 = tpu.scan <sum>, %convert_element_type3A_295 masked %broadcast_in_dim3A_297 : vector<16xi32>, vector<16xi1> -> vector<16xi32>
        %add3A_299 = vector.broadcast %mul3A_243 : i32 to vector<16xi32>
        %add3A_300 = arith.addi %add3A_299, %while3A_275 : vector<16xi32>
        %add3A_301 = arith.addi %add3A_300, %masked_cumsum3A_298 : vector<16xi32>
        %sub3A_302 = arith.constant 1 : i32
        %sub3A_303 = vector.broadcast %sub3A_302 : i32 to vector<16xi32>
        %sub3A_304 = arith.subi %add3A_301, %sub3A_303 : vector<16xi32>
        tpu.vector_store_idx %arg10[%sub3A_304], %gather3A masked %or3A : memref<512xf32, #tpu.memory_space<vmem>>[vector<16xi32>], vector<16xf32>, vector<16xi1>
        tpu.vector_store_idx %arg11[%sub3A_304], %get3A_284 masked %or3A : memref<512xi32, #tpu.memory_space<vmem>>[vector<16xi32>], vector<16xi32>, vector<16xi1>
        %all_reduce_population_count3A = tpu.all_reduce %or3A {dim = 0 : i64, kind = #tpu.reduction_kind<sum>} : vector<16xi1> -> vector<16xi32>
        %add3A_305 = arith.addi %while3A_275, %all_reduce_population_count3A : vector<16xi32>
        %all_reduce_population_count3A_306 = tpu.all_reduce %and3A_287 {dim = 0 : i64, kind = #tpu.reduction_kind<sum>} : vector<16xi1> -> vector<16xi32>
        %add3A_307 = arith.addi %while3A_276, %all_reduce_population_count3A_306 : vector<16xi32>
        scf.yield %add3A_305, %add3A_307 : vector<16xi32>, vector<16xi32>
      }
      "tpu.trace_stop"() : () -> ()
      %add3A_258 = arith.constant 1 : i32
      %add3A_259 = arith.addi %add3A_135, %add3A_258 : i32
      %add3A_260 = arith.constant 32 : i32
      %add3A_261 = arith.addi %mul3A_2, %add3A_260 : i32
      %sub3A_262 = arith.constant 1 : i32
      %sub3A_263 = arith.subi %add3A_261, %sub3A_262 : i32
      %min3A = arith.minsi %add3A_259, %sub3A_263 : i32
      %dma_start3A_264 = arith.constant 0 : i32
      %dma_start3A_265 = tpu.memref_slice %arg2[%min3A, %dma_start3A_264] : memref<1024x100000xf32, #tpu.memory_space<hbm>> -> memref<1x100000xf32, #tpu.memory_space<hbm>>
      %dma_start3A_266 = tpu.memref_squeeze %dma_start3A_265 : memref<1x100000xf32, #tpu.memory_space<hbm>> -> memref<100000xf32, #tpu.memory_space<hbm>>
      %dma_start3A_267 = arith.constant 0 : i32
      %dma_start3A_268 = tpu.memref_slice %arg2[%min3A, %dma_start3A_267] : memref<1024x100000xf32, #tpu.memory_space<hbm>> -> memref<1x100000xf32, #tpu.memory_space<hbm>>
      %dma_start3A_269 = tpu.memref_squeeze %dma_start3A_268 : memref<1x100000xf32, #tpu.memory_space<hbm>> -> memref<100000xf32, #tpu.memory_space<hbm>>
      tpu.enqueue_dma source(%dma_start3A_269 : memref<100000xf32, #tpu.memory_space<hbm>>) target(%arg5 : memref<100000xf32, #tpu.memory_space<vmem>>) target_semaphore(%arg16 : memref<!tpu.dma_semaphore, #tpu.memory_space<semaphore_mem>>)
      %dma_start3A_270 = tpu.memref_slice %arg11[%mul3A_243] : memref<512xi32, #tpu.memory_space<vmem>> -> memref<128xi32, #tpu.memory_space<vmem>>
      %dma_start3A_271 = arith.constant 0 : i32
      %dma_start3A_272 = arith.constant 0 : i32
      %dma_start3A_273 = tpu.memref_slice %arg3[%dma_start3A_271, %dma_start3A_272] : memref<100000x128xf32, #tpu.memory_space<hbm>> -> memref<100000x128xf32, #tpu.memory_space<hbm>>
      tpu.enqueue_indirect_dma source(%dma_start3A_273 : memref<100000x128xf32, #tpu.memory_space<hbm>>) target(%arg12 : memref<128x128xf32, #tpu.memory_space<vmem>>) offsets(%dma_start3A_270 : memref<128xi32, #tpu.memory_space<vmem>>) semaphore(%arg14 : memref<!tpu.dma_semaphore, #tpu.memory_space<semaphore_mem>>)
    }
    %scan3A_33 = arith.constant 32 : i32
    %add3A_34 = arith.constant 32 : i32
    %add3A_35 = arith.addi %mul3A_2, %add3A_34 : i32
    %sub3A = arith.constant 1 : i32
    %sub3A_36 = arith.subi %add3A_35, %sub3A : i32
    %broadcast_in_dim3A_37 = arith.constant 0.000000e+00 : f32
    %broadcast_in_dim3A_38 = vector.broadcast %broadcast_in_dim3A_37 : f32 to vector<16xf32>
    %broadcast_in_dim3A_39 = arith.constant 0.000000e+00 : f32
    %broadcast_in_dim3A_40 = vector.broadcast %broadcast_in_dim3A_39 : f32 to vector<16xf32>
    %broadcast_in_dim3A_41 = arith.constant 0.000000e+00 : f32
    %broadcast_in_dim3A_42 = vector.broadcast %broadcast_in_dim3A_41 : f32 to vector<16xf32>
    %broadcast_in_dim3A_43 = arith.constant 0.000000e+00 : f32
    %broadcast_in_dim3A_44 = vector.broadcast %broadcast_in_dim3A_43 : f32 to vector<16xf32>
    %broadcast_in_dim3A_45 = arith.constant 0.000000e+00 : f32
    %broadcast_in_dim3A_46 = vector.broadcast %broadcast_in_dim3A_45 : f32 to vector<16xf32>
    %broadcast_in_dim3A_47 = arith.constant 0.000000e+00 : f32
    %broadcast_in_dim3A_48 = vector.broadcast %broadcast_in_dim3A_47 : f32 to vector<16xf32>
    %broadcast_in_dim3A_49 = arith.constant 0.000000e+00 : f32
    %broadcast_in_dim3A_50 = vector.broadcast %broadcast_in_dim3A_49 : f32 to vector<16xf32>
    %broadcast_in_dim3A_51 = arith.constant 0.000000e+00 : f32
    %broadcast_in_dim3A_52 = vector.broadcast %broadcast_in_dim3A_51 : f32 to vector<16xf32>
    "tpu.trace_start"() <{level = 10 : i32, message = "ph_gwait"}> : () -> ()
    %dma_wait3A = arith.constant 256 : i32
    %dma_wait3A_53 = tpu.memref_slice %arg11[%dma_wait3A] : memref<512xi32, #tpu.memory_space<vmem>> -> memref<128xi32, #tpu.memory_space<vmem>>
    %dma_wait3A_54 = arith.constant 0 : i32
    %dma_wait3A_55 = arith.constant 0 : i32
    %dma_wait3A_56 = tpu.memref_slice %arg3[%dma_wait3A_54, %dma_wait3A_55] : memref<100000x128xf32, #tpu.memory_space<hbm>> -> memref<100000x128xf32, #tpu.memory_space<hbm>>
    tpu.wait_indirect_dma semaphore(%arg14 : memref<!tpu.dma_semaphore, #tpu.memory_space<semaphore_mem>>) src(%dma_wait3A_56 : memref<100000x128xf32, #tpu.memory_space<hbm>>) dst(%arg12 : memref<128x128xf32, #tpu.memory_space<vmem>>)
    "tpu.trace_stop"() : () -> ()
    "tpu.trace_start"() <{level = 10 : i32, message = "ph_acc"}> : () -> ()
    %scan3A_57 = arith.constant 0 : i32
    %scan3A_58 = arith.constant 128 : i32
    %scan3A_59 = arith.addi %scan3A_57, %scan3A_58 : i32
    %scan3A_60 = arith.constant 1 : i32
    %scan3A_61:8 = scf.for %scan3A_134 = %scan3A_57 to %scan3A_59 step %scan3A_60 iter_args(%scan3A_135 = %broadcast_in_dim3A_38, %scan3A_136 = %broadcast_in_dim3A_40, %scan3A_137 = %broadcast_in_dim3A_42, %scan3A_138 = %broadcast_in_dim3A_44, %scan3A_139 = %broadcast_in_dim3A_46, %scan3A_140 = %broadcast_in_dim3A_48, %scan3A_141 = %broadcast_in_dim3A_50, %scan3A_142 = %broadcast_in_dim3A_52) -> (vector<16xf32>, vector<16xf32>, vector<16xf32>, vector<16xf32>, vector<16xf32>, vector<16xf32>, vector<16xf32>, vector<16xf32>)  : i32 {
      %add3A_143 = arith.constant 256 : i32
      %add3A_144 = arith.addi %add3A_143, %scan3A_134 : i32
      %broadcast_in_dim3A_145 = vector.broadcast %add3A_144 : i32 to vector<16xi32>
      %gather3A = tpu.vector_load_idx %arg10[%broadcast_in_dim3A_145] : memref<512xf32, #tpu.memory_space<vmem>>[vector<16xi32>], vector<16xf32>,
      %get3A = arith.index_cast %scan3A_134 : i32 to index
      %get3A_146 = arith.constant 0 : index
      %get3A_147 = tpu.vector_load %arg12[%get3A, %get3A_146] {strides = array<i32>} : memref<128x128xf32, #tpu.memory_space<vmem>>, vector<16xf32>,
      %mul3A_148 = arith.mulf %gather3A, %get3A_147 : vector<16xf32>
      %add3A_149 = arith.addf %scan3A_135, %mul3A_148 : vector<16xf32>
      %get3A_150 = arith.index_cast %scan3A_134 : i32 to index
      %get3A_151 = arith.constant 16 : index
      %get3A_152 = tpu.vector_load %arg12[%get3A_150, %get3A_151] {strides = array<i32>} : memref<128x128xf32, #tpu.memory_space<vmem>>, vector<16xf32>,
      %mul3A_153 = arith.mulf %gather3A, %get3A_152 : vector<16xf32>
      %add3A_154 = arith.addf %scan3A_136, %mul3A_153 : vector<16xf32>
      %get3A_155 = arith.index_cast %scan3A_134 : i32 to index
      %get3A_156 = arith.constant 32 : index
      %get3A_157 = tpu.vector_load %arg12[%get3A_155, %get3A_156] {strides = array<i32>} : memref<128x128xf32, #tpu.memory_space<vmem>>, vector<16xf32>,
      %mul3A_158 = arith.mulf %gather3A, %get3A_157 : vector<16xf32>
      %add3A_159 = arith.addf %scan3A_137, %mul3A_158 : vector<16xf32>
      %get3A_160 = arith.index_cast %scan3A_134 : i32 to index
      %get3A_161 = arith.constant 48 : index
      %get3A_162 = tpu.vector_load %arg12[%get3A_160, %get3A_161] {strides = array<i32>} : memref<128x128xf32, #tpu.memory_space<vmem>>, vector<16xf32>,
      %mul3A_163 = arith.mulf %gather3A, %get3A_162 : vector<16xf32>
      %add3A_164 = arith.addf %scan3A_138, %mul3A_163 : vector<16xf32>
      %get3A_165 = arith.index_cast %scan3A_134 : i32 to index
      %get3A_166 = arith.constant 64 : index
      %get3A_167 = tpu.vector_load %arg12[%get3A_165, %get3A_166] {strides = array<i32>} : memref<128x128xf32, #tpu.memory_space<vmem>>, vector<16xf32>,
      %mul3A_168 = arith.mulf %gather3A, %get3A_167 : vector<16xf32>
      %add3A_169 = arith.addf %scan3A_139, %mul3A_168 : vector<16xf32>
      %get3A_170 = arith.index_cast %scan3A_134 : i32 to index
      %get3A_171 = arith.constant 80 : index
      %get3A_172 = tpu.vector_load %arg12[%get3A_170, %get3A_171] {strides = array<i32>} : memref<128x128xf32, #tpu.memory_space<vmem>>, vector<16xf32>,
      %mul3A_173 = arith.mulf %gather3A, %get3A_172 : vector<16xf32>
      %add3A_174 = arith.addf %scan3A_140, %mul3A_173 : vector<16xf32>
      %get3A_175 = arith.index_cast %scan3A_134 : i32 to index
      %get3A_176 = arith.constant 96 : index
      %get3A_177 = tpu.vector_load %arg12[%get3A_175, %get3A_176] {strides = array<i32>} : memref<128x128xf32, #tpu.memory_space<vmem>>, vector<16xf32>,
      %mul3A_178 = arith.mulf %gather3A, %get3A_177 : vector<16xf32>
      %add3A_179 = arith.addf %scan3A_141, %mul3A_178 : vector<16xf32>
      %get3A_180 = arith.index_cast %scan3A_134 : i32 to index
      %get3A_181 = arith.constant 112 : index
      %get3A_182 = tpu.vector_load %arg12[%get3A_180, %get3A_181] {strides = array<i32>} : memref<128x128xf32, #tpu.memory_space<vmem>>, vector<16xf32>,
      %mul3A_183 = arith.mulf %gather3A, %get3A_182 : vector<16xf32>
      %add3A_184 = arith.addf %scan3A_142, %mul3A_183 : vector<16xf32>
      scf.yield %add3A_149, %add3A_154, %add3A_159, %add3A_164, %add3A_169, %add3A_174, %add3A_179, %add3A_184 : vector<16xf32>, vector<16xf32>, vector<16xf32>, vector<16xf32>, vector<16xf32>, vector<16xf32>, vector<16xf32>, vector<16xf32>
    }
    %scan3A_62 = arith.constant 128 : i32
    "tpu.trace_stop"() : () -> ()
    "tpu.trace_start"() <{level = 10 : i32, message = "ph_gwait2"}> : () -> ()
    %dma_start3A_63 = arith.constant 0 : i32
    %dma_start3A_64 = arith.constant 0 : i32
    %dma_start3A_65 = tpu.memref_slice %arg12[%dma_start3A_63, %dma_start3A_64] : memref<128x128xf32, #tpu.memory_space<vmem>> -> memref<72x128xf32, #tpu.memory_space<vmem>>
    %dma_start3A_66 = arith.constant 384 : i32
    %dma_start3A_67 = tpu.memref_slice %arg11[%dma_start3A_66] : memref<512xi32, #tpu.memory_space<vmem>> -> memref<72xi32, #tpu.memory_space<vmem>>
    %dma_start3A_68 = arith.constant 0 : i32
    %dma_start3A_69 = arith.constant 0 : i32
    %dma_start3A_70 = tpu.memref_slice %arg3[%dma_start3A_68, %dma_start3A_69] : memref<100000x128xf32, #tpu.memory_space<hbm>> -> memref<100000x128xf32, #tpu.memory_space<hbm>>
    tpu.enqueue_indirect_dma source(%dma_start3A_70 : memref<100000x128xf32, #tpu.memory_space<hbm>>) target(%dma_start3A_65 : memref<72x128xf32, #tpu.memory_space<vmem>>) offsets(%dma_start3A_67 : memref<72xi32, #tpu.memory_space<vmem>>) semaphore(%arg15 : memref<!tpu.dma_semaphore, #tpu.memory_space<semaphore_mem>>)
    %dma_wait3A_71 = arith.constant 0 : i32
    %dma_wait3A_72 = arith.constant 0 : i32
    %dma_wait3A_73 = tpu.memref_slice %arg12[%dma_wait3A_71, %dma_wait3A_72] : memref<128x128xf32, #tpu.memory_space<vmem>> -> memref<72x128xf32, #tpu.memory_space<vmem>>
    %dma_wait3A_74 = arith.constant 384 : i32
    %dma_wait3A_75 = tpu.memref_slice %arg11[%dma_wait3A_74] : memref<512xi32, #tpu.memory_space<vmem>> -> memref<72xi32, #tpu.memory_space<vmem>>
    %dma_wait3A_76 = arith.constant 0 : i32
    %dma_wait3A_77 = arith.constant 0 : i32
    %dma_wait3A_78 = tpu.memref_slice %arg3[%dma_wait3A_76, %dma_wait3A_77] : memref<100000x128xf32, #tpu.memory_space<hbm>> -> memref<100000x128xf32, #tpu.memory_space<hbm>>
    tpu.wait_indirect_dma semaphore(%arg15 : memref<!tpu.dma_semaphore, #tpu.memory_space<semaphore_mem>>) src(%dma_wait3A_78 : memref<100000x128xf32, #tpu.memory_space<hbm>>) dst(%dma_wait3A_73 : memref<72x128xf32, #tpu.memory_space<vmem>>)
    "tpu.trace_stop"() : () -> ()
    "tpu.trace_start"() <{level = 10 : i32, message = "ph_acc"}> : () -> ()
    %scan3A_79 = arith.constant 0 : i32
    %scan3A_80 = arith.constant 72 : i32
    %scan3A_81 = arith.addi %scan3A_79, %scan3A_80 : i32
    %scan3A_82 = arith.constant 1 : i32
    %scan3A_83:8 = scf.for %scan3A_134 = %scan3A_79 to %scan3A_81 step %scan3A_82 iter_args(%scan3A_135 = %scan3A_61#0, %scan3A_136 = %scan3A_61#1, %scan3A_137 = %scan3A_61#2, %scan3A_138 = %scan3A_61#3, %scan3A_139 = %scan3A_61#4, %scan3A_140 = %scan3A_61#5, %scan3A_141 = %scan3A_61#6, %scan3A_142 = %scan3A_61#7) -> (vector<16xf32>, vector<16xf32>, vector<16xf32>, vector<16xf32>, vector<16xf32>, vector<16xf32>, vector<16xf32>, vector<16xf32>)  : i32 {
      %add3A_143 = arith.constant 384 : i32
      %add3A_144 = arith.addi %add3A_143, %scan3A_134 : i32
      %broadcast_in_dim3A_145 = vector.broadcast %add3A_144 : i32 to vector<16xi32>
      %gather3A = tpu.vector_load_idx %arg10[%broadcast_in_dim3A_145] : memref<512xf32, #tpu.memory_space<vmem>>[vector<16xi32>], vector<16xf32>,
      %get3A = arith.index_cast %scan3A_134 : i32 to index
      %get3A_146 = arith.constant 0 : index
      %get3A_147 = tpu.vector_load %arg12[%get3A, %get3A_146] {strides = array<i32>} : memref<128x128xf32, #tpu.memory_space<vmem>>, vector<16xf32>,
      %mul3A_148 = arith.mulf %gather3A, %get3A_147 : vector<16xf32>
      %add3A_149 = arith.addf %scan3A_135, %mul3A_148 : vector<16xf32>
      %get3A_150 = arith.index_cast %scan3A_134 : i32 to index
      %get3A_151 = arith.constant 16 : index
      %get3A_152 = tpu.vector_load %arg12[%get3A_150, %get3A_151] {strides = array<i32>} : memref<128x128xf32, #tpu.memory_space<vmem>>, vector<16xf32>,
      %mul3A_153 = arith.mulf %gather3A, %get3A_152 : vector<16xf32>
      %add3A_154 = arith.addf %scan3A_136, %mul3A_153 : vector<16xf32>
      %get3A_155 = arith.index_cast %scan3A_134 : i32 to index
      %get3A_156 = arith.constant 32 : index
      %get3A_157 = tpu.vector_load %arg12[%get3A_155, %get3A_156] {strides = array<i32>} : memref<128x128xf32, #tpu.memory_space<vmem>>, vector<16xf32>,
      %mul3A_158 = arith.mulf %gather3A, %get3A_157 : vector<16xf32>
      %add3A_159 = arith.addf %scan3A_137, %mul3A_158 : vector<16xf32>
      %get3A_160 = arith.index_cast %scan3A_134 : i32 to index
      %get3A_161 = arith.constant 48 : index
      %get3A_162 = tpu.vector_load %arg12[%get3A_160, %get3A_161] {strides = array<i32>} : memref<128x128xf32, #tpu.memory_space<vmem>>, vector<16xf32>,
      %mul3A_163 = arith.mulf %gather3A, %get3A_162 : vector<16xf32>
      %add3A_164 = arith.addf %scan3A_138, %mul3A_163 : vector<16xf32>
      %get3A_165 = arith.index_cast %scan3A_134 : i32 to index
      %get3A_166 = arith.constant 64 : index
      %get3A_167 = tpu.vector_load %arg12[%get3A_165, %get3A_166] {strides = array<i32>} : memref<128x128xf32, #tpu.memory_space<vmem>>, vector<16xf32>,
      %mul3A_168 = arith.mulf %gather3A, %get3A_167 : vector<16xf32>
      %add3A_169 = arith.addf %scan3A_139, %mul3A_168 : vector<16xf32>
      %get3A_170 = arith.index_cast %scan3A_134 : i32 to index
      %get3A_171 = arith.constant 80 : index
      %get3A_172 = tpu.vector_load %arg12[%get3A_170, %get3A_171] {strides = array<i32>} : memref<128x128xf32, #tpu.memory_space<vmem>>, vector<16xf32>,
      %mul3A_173 = arith.mulf %gather3A, %get3A_172 : vector<16xf32>
      %add3A_174 = arith.addf %scan3A_140, %mul3A_173 : vector<16xf32>
      %get3A_175 = arith.index_cast %scan3A_134 : i32 to index
      %get3A_176 = arith.constant 96 : index
      %get3A_177 = tpu.vector_load %arg12[%get3A_175, %get3A_176] {strides = array<i32>} : memref<128x128xf32, #tpu.memory_space<vmem>>, vector<16xf32>,
      %mul3A_178 = arith.mulf %gather3A, %get3A_177 : vector<16xf32>
      %add3A_179 = arith.addf %scan3A_141, %mul3A_178 : vector<16xf32>
      %get3A_180 = arith.index_cast %scan3A_134 : i32 to index
      %get3A_181 = arith.constant 112 : index
      %get3A_182 = tpu.vector_load %arg12[%get3A_180, %get3A_181] {strides = array<i32>} : memref<128x128xf32, #tpu.memory_space<vmem>>, vector<16xf32>,
      %mul3A_183 = arith.mulf %gather3A, %get3A_182 : vector<16xf32>
      %add3A_184 = arith.addf %scan3A_142, %mul3A_183 : vector<16xf32>
      scf.yield %add3A_149, %add3A_154, %add3A_159, %add3A_164, %add3A_169, %add3A_174, %add3A_179, %add3A_184 : vector<16xf32>, vector<16xf32>, vector<16xf32>, vector<16xf32>, vector<16xf32>, vector<16xf32>, vector<16xf32>, vector<16xf32>
    }
    %scan3A_84 = arith.constant 72 : i32
    "tpu.trace_stop"() : () -> ()
    "tpu.trace_start"() <{level = 10 : i32, message = "ph_out"}> : () -> ()
    %mul3A_85 = arith.constant 5.000000e-03 : f32
    %mul3A_86 = vector.broadcast %mul3A_85 : f32 to vector<16xf32>
    %mul3A_87 = arith.mulf %scan3A_83#0, %mul3A_86 : vector<16xf32>
    %swap3A = arith.constant 0 : index
    %swap3A_88 = tpu.vector_load %arg13[%swap3A] {strides = array<i32>} : memref<128xf32, #tpu.memory_space<vmem>>, vector<16xf32>,
    tpu.vector_store %arg13[%swap3A], %mul3A_87 {strides = array<i32>} : memref<128xf32, #tpu.memory_space<vmem>>, vector<16xf32>,
    %mul3A_89 = arith.constant 5.000000e-03 : f32
    %mul3A_90 = vector.broadcast %mul3A_89 : f32 to vector<16xf32>
    %mul3A_91 = arith.mulf %scan3A_83#1, %mul3A_90 : vector<16xf32>
    %swap3A_92 = arith.constant 16 : index
    %swap3A_93 = tpu.vector_load %arg13[%swap3A_92] {strides = array<i32>} : memref<128xf32, #tpu.memory_space<vmem>>, vector<16xf32>,
    tpu.vector_store %arg13[%swap3A_92], %mul3A_91 {strides = array<i32>} : memref<128xf32, #tpu.memory_space<vmem>>, vector<16xf32>,
    %mul3A_94 = arith.constant 5.000000e-03 : f32
    %mul3A_95 = vector.broadcast %mul3A_94 : f32 to vector<16xf32>
    %mul3A_96 = arith.mulf %scan3A_83#2, %mul3A_95 : vector<16xf32>
    %swap3A_97 = arith.constant 32 : index
    %swap3A_98 = tpu.vector_load %arg13[%swap3A_97] {strides = array<i32>} : memref<128xf32, #tpu.memory_space<vmem>>, vector<16xf32>,
    tpu.vector_store %arg13[%swap3A_97], %mul3A_96 {strides = array<i32>} : memref<128xf32, #tpu.memory_space<vmem>>, vector<16xf32>,
    %mul3A_99 = arith.constant 5.000000e-03 : f32
    %mul3A_100 = vector.broadcast %mul3A_99 : f32 to vector<16xf32>
    %mul3A_101 = arith.mulf %scan3A_83#3, %mul3A_100 : vector<16xf32>
    %swap3A_102 = arith.constant 48 : index
    %swap3A_103 = tpu.vector_load %arg13[%swap3A_102] {strides = array<i32>} : memref<128xf32, #tpu.memory_space<vmem>>, vector<16xf32>,
    tpu.vector_store %arg13[%swap3A_102], %mul3A_101 {strides = array<i32>} : memref<128xf32, #tpu.memory_space<vmem>>, vector<16xf32>,
    %mul3A_104 = arith.constant 5.000000e-03 : f32
    %mul3A_105 = vector.broadcast %mul3A_104 : f32 to vector<16xf32>
    %mul3A_106 = arith.mulf %scan3A_83#4, %mul3A_105 : vector<16xf32>
    %swap3A_107 = arith.constant 64 : index
    %swap3A_108 = tpu.vector_load %arg13[%swap3A_107] {strides = array<i32>} : memref<128xf32, #tpu.memory_space<vmem>>, vector<16xf32>,
    tpu.vector_store %arg13[%swap3A_107], %mul3A_106 {strides = array<i32>} : memref<128xf32, #tpu.memory_space<vmem>>, vector<16xf32>,
    %mul3A_109 = arith.constant 5.000000e-03 : f32
    %mul3A_110 = vector.broadcast %mul3A_109 : f32 to vector<16xf32>
    %mul3A_111 = arith.mulf %scan3A_83#5, %mul3A_110 : vector<16xf32>
    %swap3A_112 = arith.constant 80 : index
    %swap3A_113 = tpu.vector_load %arg13[%swap3A_112] {strides = array<i32>} : memref<128xf32, #tpu.memory_space<vmem>>, vector<16xf32>,
    tpu.vector_store %arg13[%swap3A_112], %mul3A_111 {strides = array<i32>} : memref<128xf32, #tpu.memory_space<vmem>>, vector<16xf32>,
    %mul3A_114 = arith.constant 5.000000e-03 : f32
    %mul3A_115 = vector.broadcast %mul3A_114 : f32 to vector<16xf32>
    %mul3A_116 = arith.mulf %scan3A_83#6, %mul3A_115 : vector<16xf32>
    %swap3A_117 = arith.constant 96 : index
    %swap3A_118 = tpu.vector_load %arg13[%swap3A_117] {strides = array<i32>} : memref<128xf32, #tpu.memory_space<vmem>>, vector<16xf32>,
    tpu.vector_store %arg13[%swap3A_117], %mul3A_116 {strides = array<i32>} : memref<128xf32, #tpu.memory_space<vmem>>, vector<16xf32>,
    %mul3A_119 = arith.constant 5.000000e-03 : f32
    %mul3A_120 = vector.broadcast %mul3A_119 : f32 to vector<16xf32>
    %mul3A_121 = arith.mulf %scan3A_83#7, %mul3A_120 : vector<16xf32>
    %swap3A_122 = arith.constant 112 : index
    %swap3A_123 = tpu.vector_load %arg13[%swap3A_122] {strides = array<i32>} : memref<128xf32, #tpu.memory_space<vmem>>, vector<16xf32>,
    tpu.vector_store %arg13[%swap3A_122], %mul3A_121 {strides = array<i32>} : memref<128xf32, #tpu.memory_space<vmem>>, vector<16xf32>,
    "tpu.region"() ({
      %run_scoped3A = tpu.sem_alloc : memref<!tpu.dma_semaphore, #tpu.memory_space<semaphore_mem>>
      %dma_start3A_134 = arith.constant 0 : i32
      %dma_start3A_135 = tpu.memref_slice %arg4[%sub3A_36, %dma_start3A_134] : memref<1024x128xf32, #tpu.memory_space<hbm>> -> memref<1x128xf32, #tpu.memory_space<hbm>>
      %dma_start3A_136 = tpu.memref_squeeze %dma_start3A_135 : memref<1x128xf32, #tpu.memory_space<hbm>> -> memref<128xf32, #tpu.memory_space<hbm>>
      %dma_start3A_137 = arith.constant 0 : i32
      %dma_start3A_138 = tpu.memref_slice %arg4[%sub3A_36, %dma_start3A_137] : memref<1024x128xf32, #tpu.memory_space<hbm>> -> memref<1x128xf32, #tpu.memory_space<hbm>>
      %dma_start3A_139 = tpu.memref_squeeze %dma_start3A_138 : memref<1x128xf32, #tpu.memory_space<hbm>> -> memref<128xf32, #tpu.memory_space<hbm>>
      tpu.enqueue_dma source(%arg13 : memref<128xf32, #tpu.memory_space<vmem>>) target(%dma_start3A_139 : memref<128xf32, #tpu.memory_space<hbm>>) target_semaphore(%run_scoped3A : memref<!tpu.dma_semaphore, #tpu.memory_space<semaphore_mem>>)
      %dma_wait3A_140 = arith.constant 0 : i32
      %dma_wait3A_141 = tpu.memref_slice %arg4[%sub3A_36, %dma_wait3A_140] : memref<1024x128xf32, #tpu.memory_space<hbm>> -> memref<1x128xf32, #tpu.memory_space<hbm>>
      %dma_wait3A_142 = tpu.memref_squeeze %dma_wait3A_141 : memref<1x128xf32, #tpu.memory_space<hbm>> -> memref<128xf32, #tpu.memory_space<hbm>>
      %dma_wait3A_143 = arith.constant 0 : i32
      %dma_wait3A_144 = tpu.memref_slice %arg4[%sub3A_36, %dma_wait3A_143] : memref<1024x128xf32, #tpu.memory_space<hbm>> -> memref<1x128xf32, #tpu.memory_space<hbm>>
      %dma_wait3A_145 = tpu.memref_squeeze %dma_wait3A_144 : memref<1x128xf32, #tpu.memory_space<hbm>> -> memref<128xf32, #tpu.memory_space<hbm>>
      tpu.wait_dma2 semaphore(%run_scoped3A : memref<!tpu.dma_semaphore, #tpu.memory_space<semaphore_mem>>) src(%arg13 : memref<128xf32, #tpu.memory_space<vmem>>) dst(%dma_wait3A_145 : memref<128xf32, #tpu.memory_space<hbm>>)
      tpu.yield
    }) : () -> ()
    "tpu.trace_stop"() : () -> ()
    %add3A_124 = arith.constant 32 : i32
    %add3A_125 = arith.addi %mul3A_2, %add3A_124 : i32
    %sub3A_126 = arith.constant 1 : i32
    %sub3A_127 = arith.subi %add3A_125, %sub3A_126 : i32
    %dma_wait3A_128 = arith.constant 0 : i32
    %dma_wait3A_129 = tpu.memref_slice %arg2[%sub3A_127, %dma_wait3A_128] : memref<1024x100000xf32, #tpu.memory_space<hbm>> -> memref<1x100000xf32, #tpu.memory_space<hbm>>
    %dma_wait3A_130 = tpu.memref_squeeze %dma_wait3A_129 : memref<1x100000xf32, #tpu.memory_space<hbm>> -> memref<100000xf32, #tpu.memory_space<hbm>>
    %dma_wait3A_131 = arith.constant 0 : i32
    %dma_wait3A_132 = tpu.memref_slice %arg2[%sub3A_127, %dma_wait3A_131] : memref<1024x100000xf32, #tpu.memory_space<hbm>> -> memref<1x100000xf32, #tpu.memory_space<hbm>>
    %dma_wait3A_133 = tpu.memref_squeeze %dma_wait3A_132 : memref<1x100000xf32, #tpu.memory_space<hbm>> -> memref<100000xf32, #tpu.memory_space<hbm>>
    tpu.wait_dma2 semaphore(%arg16 : memref<!tpu.dma_semaphore, #tpu.memory_space<semaphore_mem>>) src(%dma_wait3A_133 : memref<100000xf32, #tpu.memory_space<hbm>>) dst(%arg5 : memref<100000xf32, #tpu.memory_space<vmem>>)
    return
  }
}

</mosaic_0001>

<sc_bundles>
// kernel: kernel.3.cloned.1.call-start
scs
__scs_entry_jumppad:
0x0: {  	(pc) =	sbr.rel $0x88, $3  }
0x1: {  	(tag) =	ssettag $0x0;
	lr =	simm.s32 $0x1  }
0x2: {  	[smem:$0x3F9F] =	sst lr;
	_ =	strace $0xD0000000  }
0x3: {  	_ = 	snop  }
0x4: {  	_ = 	snop  }
0x5: {  	_ = 	snop  }
0x6: {  	_ = 	snop  }
0x7: {  	_ = 	snop  }
__scs_overlays_trampoline_lowered:
0x8: {  	[smem:$0x3FAE] =	sst s0  }
0x9: {  	[smem:$0x3FAF] =	sst s1  }
0xa: {  	[smem:$0x3FB0] =	sst s2  }
0xb: {  	[smem:$0x3FB1] =	sst s3  }
0xc: {  	[smem:$0x3FB2] =	sst s4  }
0xd: {  	[smem:$0x3FB3] =	sst s5  }
0xe: {  	[smem:$0x3FB4] =	sst s6  }
0xf: {  	[smem:$0x3FB5] =	sst s7  }
0x10: {  	[smem:$0x3FB6] =	sst s8  }
0x11: {  	[smem:$0x3FB7] =	sst s9;
	s0 =	simm.s32 @!p0 $0x0  }
0x12: {  	s1 =	sld [smem:$0x3F9D];
	s0 =	simm.s32 @p0 $0x1  }
0x13: {  	[smem:$0x3FB8] =	sst s0;
	s0 =	simm.s32 @!p1 $0x0  }
0x14: {  	s2 =	sld [smem:$0x3F9C];
	s0 =	simm.s32 @p1 $0x1  }
0x15: {  	[smem:$0x3FB9] =	sst s0;
	s0 =	simm.s32 @!p2 $0x0  }
0x16: {  	s3 =	sld [smem:$0x3FDB];
	s0 =	simm.s32 @p2 $0x1  }
0x17: {  	s4 =	simm.s32 $0x1BF5;
	[smem:$0x3FBB] =	sst s0  }
0x18: {  	s0 =	sld [smem:$0x3F9E];
	_ =	swait.ge [sflag:s4], $0x0  }
0x19: {  	s7 =	sld [smem:$0x3F9F]  }
0x1a: {  	s8 =	sadd.s32 $0xFFFFE003, lr  }
0x1b: {  	s9 =	sadd.s32 $0xFFFFFEF7, lr;
	s5 =	simm.s32 $0xFFFFFFFF;
	p2 =	slt.u32 s8, $0xFFFFF086  }
0x1c: {  	p1 =	slt.u32 s9, $0xF7A;
	s5 =	simm.s32 @!p2 $0x0  }
0x1d: {  	s5 =	simm.s32 @p1 $0x1;
	p0 =	seq.s32 s7, s2  }
0x1e: {  	s7 =	smul.u32 @!p0 $0xF7A, s2;
	p2 =	seq.s32 @!p0 s5, $0x0  }
0x1f: {  	s9 =	smul.u32 $0xF7A, s1;
	s8 =	simm.s32 @!p0 $0x1BF5;
	p2 =	por !p2, p0  }
0x20: {  	[sflag:s8] =	ssyncset.s32 @!p0 $0xFFFFF086;
	s6 =	sadd.s32 @!p0 s3, s7;
	s7 =	simm.s32 @!p0 $0x108  }
0x21: {  	s3 =	sadd.s32 s3, s9;
	s6 =	sadd.s32 @!p0 $0x88, s6;
	s7 =	simm.s32 @p2 $0x1082  }
0x22: {  	[simem:s7], [sflag:s8] =	dma.local @!p0 [hbm:s6], $0xF7A  }
0x23: {  	s9 =	sor.u32 $0xD0000000, s2;
	s6 =	simm.s32 $0x108;
	_ =	swait.ge @!p0 [sflag:s8], $0x0  }
0x24: {  	s3 =	sadd.s32 $0x88, s3;
	s6 =	simm.s32 @!p1 $0x1082;
	[sflag:s4] =	ssyncset.s32 $0xFFFFF086  }
0x25: {  	[simem:s6], [sflag:s4] =	dma.local [hbm:s3], $0xF7A  }
0x26: {  	[smem:$0x3F9F] =	sst s1;
	(tag) =	ssettag s2;
	_ =	strace s9  }
0x27: {  	s1 =	sld [smem:$0x3FAF]  }
0x28: {  	s2 =	sld [smem:$0x3FB0]  }
0x29: {  	s4 =	sld [smem:$0x3FB2]  }
0x2a: {  	p0 =	seq.s32 s5, $0x0;
	s5 =	sld [smem:$0x3FB3]  }
0x2b: {  	s6 =	sld [smem:$0x3FB4]  }
0x2c: {  	s7 =	sld [smem:$0x3FB5]  }
0x2d: {  	s3 =	simm.s32 $0x108;
	s8 =	sld [smem:$0x3FB6]  }
0x2e: {  	s3 =	simm.s32 @!p0 $0x1082;
	s9 =	sld [smem:$0x3FB7]  }
0x2f: {  	lr =	sadd.s32 s0, s3;
	s0 =	sld [smem:$0x3FAE]  }
0x30: {  	s3 =	sld [smem:$0x3FB1]  }
0x31: {  	[smem:$0x3FBA] =	sst s10  }
0x32: {  	s10 =	sld [smem:$0x3FB8];
	_ =	sdelay $0x3  }
0x33: {  	p0 =	seq.s32 s10, $0x1;
	s10 =	sld [smem:$0x3FBA];
	_ =	sdelay $0x3  }
0x34: {  	[smem:$0x3FBA] =	sst s10  }
0x35: {  	s10 =	sld [smem:$0x3FB9];
	_ =	sdelay $0x3  }
0x36: {  	p1 =	seq.s32 s10, $0x1;
	s10 =	sld [smem:$0x3FBA];
	_ =	sdelay $0x3  }
0x37: {  	[smem:$0x3FBA] =	sst s10  }
0x38: {  	s10 =	sld [smem:$0x3FBB]  }
0x39: {  	_ = 	snop;
	(pc) =	sbr.ind lr, $3  }
0x3a: {  	_ = 	snop  }
0x3b: {  	_ = 	snop  }
0x3c: {  	p2 =	seq.s32 s10, $0x1;
	s10 =	sld [smem:$0x3FBA]  }
0x3d: {  	_ =	shalt  }
0x3e: {  	_ =	shalt  }
0x3f: {  	_ =	shalt  }
0x40: {  	_ =	shalt  }
0x41: {  	_ =	shalt  }
0x42: {  	_ =	shalt  }
0x43: {  	_ =	shalt  }
0x44: {  	_ =	shalt  }
0x45: {  	_ =	shalt  }
0x46: {  	_ =	shalt  }
0x47: {  	_ =	shalt  }
0x48: {  	_ =	shalt  }
0x49: {  	_ =	shalt  }
0x4a: {  	_ =	shalt  }
0x4b: {  	_ =	shalt  }
0x4c: {  	_ =	shalt  }
0x4d: {  	_ =	shalt  }
0x4e: {  	_ =	shalt  }
0x4f: {  	_ =	shalt  }
0x50: {  	_ =	shalt  }
0x51: {  	_ =	shalt  }
0x52: {  	_ =	shalt  }
0x53: {  	_ =	shalt  }
0x54: {  	_ =	shalt  }
0x55: {  	_ =	shalt  }
0x56: {  	_ =	shalt  }
0x57: {  	_ =	shalt  }
0x58: {  	_ =	shalt  }
0x59: {  	_ =	shalt  }
0x5a: {  	_ =	shalt  }
0x5b: {  	_ =	shalt  }
0x5c: {  	_ =	shalt  }
0x5d: {  	_ =	shalt  }
0x5e: {  	_ =	shalt  }
0x5f: {  	_ =	shalt  }
0x60: {  	_ =	shalt  }
0x61: {  	_ =	shalt  }
0x62: {  	_ =	shalt  }
0x63: {  	_ =	shalt  }
0x64: {  	_ =	shalt  }
0x65: {  	_ =	shalt  }
0x66: {  	_ =	shalt  }
0x67: {  	_ =	shalt  }
0x68: {  	_ =	shalt  }
0x69: {  	_ =	shalt  }
0x6a: {  	_ =	shalt  }
0x6b: {  	_ =	shalt  }
0x6c: {  	_ =	shalt  }
0x6d: {  	_ =	shalt  }
0x6e: {  	_ =	shalt  }
0x6f: {  	_ =	shalt  }
0x70: {  	_ =	shalt  }
0x71: {  	_ =	shalt  }
0x72: {  	_ =	shalt  }
0x73: {  	_ =	shalt  }
0x74: {  	_ =	shalt  }
0x75: {  	_ =	shalt  }
0x76: {  	_ =	shalt  }
0x77: {  	_ =	shalt  }
0x78: {  	_ =	shalt  }
0x79: {  	_ =	shalt  }
0x7a: {  	_ =	shalt  }
0x7b: {  	_ =	shalt  }
0x7c: {  	_ =	shalt  }
0x7d: {  	_ =	shalt  }
0x7e: {  	_ =	shalt  }
0x7f: {  	_ =	shalt  }
0x80: {  	_ =	shalt  }
0x81: {  	_ =	shalt  }
0x82: {  	_ =	shalt  }
0x83: {  	_ =	shalt  }
0x84: {  	_ =	shalt  }
0x85: {  	_ =	shalt  }
0x86: {  	_ =	shalt  }
0x87: {  	_ =	shalt  }
.Lfunc_end0:
.L_simem_size_0:
called_computation_lowered:
.L_overlay_start_0:
0x88: {  	s2 =	sld [smem:$0x3FD9]  }
0x89: {  	s3 =	sld [smem:$0x3FFE];
	_ =	sdelay $0x1  }
0x8a: {  	s1 =	srdreg.scid  }
0x8b: {  	s0 =	sand.u32 $0x1, s1  }
0x8c: {  	s17 =	sshll.u32 s0, $0xA;
	s2 =	sadd.s32 s3, s2  }
0x8d: {  	s2 =	sadd.s32 s2, s17  }
0x8e: {  	[smem:$0x3FC6] =	sst s2  }
0x8f: {  	_ = 	snop  }
0x90: {  	s2 =	sld [smem:$0x3FC8]  }
0x91: {  	s18 =	sld [smem:$0x3FD0];
	(tm) =	ssettm $0x1  }
0x92: {  	s4 =	sld [smem:$0x3FFB];
	_ =	sdelay $0x3  }
0x93: {  	_ =	strace s4  }
0x94: {  	s4 =	sld [smem:$0x3FFC];
	_ =	sdelay $0x3  }
0x95: {  	_ =	strace s4  }
0x96: {  	s4 =	sld [smem:$0x3FFD];
	_ =	sdelay $0x3  }
0x97: {  	_ =	strace s4  }
0x98: {  	_ =	strace $0x8FFFFFFF  }
0x99: {  	s19 =	sld [smem:$0x3FDB];
	_ =	sdelay $0x1  }
0x9a: {  	s5 =	simm.s32 $_scs_section_size  }
0x9b: {  	s6 =	simm.s32 $_size__tile_overlayer_lowered;
	s7 =	simm.s32 $_tile_overlayer_lowered  }
0x9c: {  	s22 =	simm.s32 $0x1BFF;
	s21 =	sshll.u32 s7, $0x1;
	s4 =	sadd.s32 s5, s19  }
0x9d: {  	s8 =	simm.s32 $0x0;
	s20 =	sshll.u32 s6, $0x1;
	s6 =	sadd.s32 s21, s4  }
0x9e: {  	[timem:s8], [sflag:s22] =	dma.local [hbm:s6], s20  }
0x9f: {  	_ =	swait.ge [sflag:s22], s20  }
0xa0: {  	s5 =	ssub.s32 $0x0, s20;
	[sflag:s22] =	ssyncset.done $0x0  }
0xa1: {  	[sflag:s22] =	ssyncadd.s32 s5;
	_ =	sdelay $0x1  }
0xa2: {  	s23 =	simm.s32 $0x1B8B  }
0xa3: {  	_ =	swait.ge [sflag:s23], $0x1  }
0xa4: {  	[sflag:s23] =	ssyncset.done $0x0  }
0xa5: {  	s25 =	simm.s32 $0x1B8E;
	s24 =	sld [smem:$0x3FFE];
	[sflag:s23] =	ssyncadd.s32 $0xFFFFFFFF  }
0xa6: {  	s26 =	simm.s32 $execute0_lowered;
	[smem:$0x3FD2] =	sst s25  }
0xa7: {  	s6 =	sshll.u32 s26, $0x1;
	_ =	strace $0x80000046;
	[dreg:$0x1] =	wrdreg $0xFFFFFFFF  }
0xa8: {  	s28 =	simm.s32 $_size_execute0_lowered;
	s4 =	sadd.s32 s4, s6;
	[dreg:$0x0] =	wrdreg $0x0  }
0xa9: {  	s6 =	sshll.u32 s28, $0x1;
	[dreg:$0x2] =	wrdreg s4  }
0xaa: {  	[dreg:$0x3] =	wrdreg s6  }
0xab: {  	[dreg:$0x4] =	wrdreg $0xC0  }
0xac: {  	_ =	task [dreg:s8], $0x5FFFF  }
0xad: {  	[dreg:$0x1] =	wrdreg $0xFFFFFFFF  }
0xae: {  	[dreg:$0x0] =	wrdreg $0x60  }
0xaf: {  	[dreg:$0x2] =	wrdreg s24  }
0xb0: {  	[dreg:$0x3] =	wrdreg s2  }
0xb1: {  	[dreg:$0x4] =	wrdreg s18  }
0xb2: {  	[dreg:$0x5] =	wrdreg $0x9  }
0xb3: {  	_ =	task.clear_ibuf [dreg:s8], $0x6FFFF;
	_ =	strace $0x90000046  }
0xb4: {  	s29 =	simm.s32 $0x9;
	_ =	strace $0x8000005A  }
0xb5: {  	_ =	swait.ge [sflag:s29], $0x1  }
0xb6: {  	[sflag:s29] =	ssyncadd.s32 $0xFFFFFFFF  }
0xb7: {  	_ =	strace $0x9000005A  }
0xb8: {  	_ =	sfence  }
0xb9: {  	s30 =	sld [smem:$0x0];
	_ =	sdelay $0x2  }
0xba: {  	s31 =	sshll.u32 s1, $0xD;
	s1 =	sshrl.u32 s1, $0x2  }
0xbb: {  	s3 =	sand.u32 $0x4000, s31;
	s1 =	sadd.s32 s1, s30  }
0xbc: {  	s0 =	sor.u32 s3, s0;
	s1 =	sshll.u32 s1, $0x11  }
0xbd: {  	s0 =	sor.u32 s1, s0  }
0xbe: {  	s0 =	sadd.s32 $0x8F2B, s0  }
0xbf: {  	[sflag:s0] =	ssyncadd.remote.s32 $0x1  }
0xc0: {  	_ =	sfence.sel $0xFFFF  }
0xc1: {  	[dreg:$0x0] =	wrdreg $0xFFFFFFFF;
	(pc) =	sbr.abs _section_cstart, $3  }
0xc2: {  	[dreg:$0x1] =	wrdreg $0xFFFFFFFF  }
0xc3: {  	_ =	task.clear_ibuf [dreg:s8], $0x2FFFF;
	_ =	strace $0x9FFFFFFF  }
0xc4: {  	(tm) =	ssettm $0x7FFFFFFF  }
0xc5: {  	_ =	shalt  }
tec
execute0_lowered:
.L_overlay_start_1:
0x0: {  	(tag) =	ssettag $0x1  }
0x1: {  	s0 =	rddreg [dreg:$0x0]  }
0x2: {  	s1 =	srdreg.scid;
	s2 =	rddreg [dreg:$0x1]  }
0x3: {  	s4 =	stileid.u32;
	s3 =	rddreg [dreg:$0x2]  }
0x4: {  	s11 =	simm.s32 $0x80;
	s12 =	simm.s32 $0x400;
	s13 =	simm.s32 $0x1  }
0x5: {  	s14 =	simm.s32 $0x3;
	s15 =	simm.s32 $0x18700;
	s16 =	simm.s32 $0x1A980  }
0x6: {  	s17 =	simm.s32 $0x1B980;
	s18 =	simm.s32 $0x1BB80;
	s19 =	simm.s32 $0x1BD80  }
0x7: {  	s20 =	simm.s32 $0x48;
	s22 =	simm.s32 $0x2;
	s1 =	sand.u32 $0x1, s1  }
0x8: {  	s5 =	sshll.u32 s4, $0x6;
	s4 =	simm.s32 $0x0;
	s6 =	sshll.u32 s1, $0x5  }
0x9: {  	s23 =	simm.s32 $0x1FD80;
	[smem:$0x7FF] =	sst s4;
	s5 =	sor.u32 s6, s5  }
0xa: {  	s1 =	ssub.s32 $0x2, s1;
	s6 =	sshrl.u32 s5, $0x3;
	s8 =	sshll.u32 s5, $0x4  }
0xb: {  	s29 =	sshrl.u32 s1, $0x1;
	s7 =	smul.u32 $0x18700, s6;
	s31 =	sadd.s32 s8, s3  }
0xc: {  	v0 =	vlaneseq.u32;
	s6 =	sadd.s32 $0x400, s0;
	s0 =	ssub.s32 s1, s29;
	s1 =	sadd.s32 $0x1F0, s31  }
0xd: {  	v5 =	vmul.u32 $0xFFFFFFFF, v0;
	v1 =	vmul.u32 $0x10, v0;
	_ =	strace $0x80000047;
	s0 =	smax.u32 s0, $0x1;
	[dreg:$0x5] =	wrdreg s1  }
0xe: {  	v2 =	vimm.s32 $0x0;
	v3 =	vimm.f32 $0.0e+00;
	v4 =	vimm.f32 $1.000000000e+00;
	s24 =	simm.s32 $0x4;
	s30 =	sadd.s32 s6, s7;
	[dreg:$0x6] =	wrdreg s0  }
0xf: {  	vm0 =	vmmov $0x1ff;
	s25 =	simm.s32 $0x0;
	v5 =	vadd.s32 $0xF, v5;
	v6 =	vor.u32 $0x100, v1;
	s8 =	sor.u32 $0x1F, s5;
	[dreg:$0x4] =	wrdreg s30  }
.LBB2_1:
0x10: {  	[tilespmem:$0x1A700] =	vst v2  }
0x11: {  	[tilespmem:$0x1A710] =	vst v2  }
0x12: {  	[tilespmem:$0x1A720] =	vst v2  }
0x13: {  	[tilespmem:$0x1A730] =	vst v2  }
0x14: {  	[tilespmem:$0x1A740] =	vst v2  }
0x15: {  	[tilespmem:$0x1A750] =	vst v2  }
0x16: {  	[tilespmem:$0x1A760] =	vst v2  }
0x17: {  	[tilespmem:$0x1A770] =	vst v2  }
0x18: {  	[tilespmem:$0x1A780] =	vst v2  }
0x19: {  	[tilespmem:$0x1A790] =	vst v2  }
0x1a: {  	[tilespmem:$0x1A7A0] =	vst v2  }
0x1b: {  	[tilespmem:$0x1A7B0] =	vst v2  }
0x1c: {  	[tilespmem:$0x1A7C0] =	vst v2  }
0x1d: {  	[tilespmem:$0x1A7D0] =	vst v2  }
0x1e: {  	[tilespmem:$0x1A7E0] =	vst v2  }
0x1f: {  	[tilespmem:$0x1A7F0] =	vst v2  }
0x20: {  	[tilespmem:$0x1A800] =	vst v2  }
0x21: {  	[tilespmem:$0x1A810] =	vst v2  }
0x22: {  	[tilespmem:$0x1A820] =	vst v2  }
0x23: {  	[tilespmem:$0x1A830] =	vst v2  }
0x24: {  	[tilespmem:$0x1A840] =	vst v2  }
0x25: {  	[tilespmem:$0x1A850] =	vst v2  }
0x26: {  	[tilespmem:$0x1A860] =	vst v2  }
0x27: {  	[tilespmem:$0x1A870] =	vst v2  }
0x28: {  	[tilespmem:$0x1A880] =	vst v2  }
0x29: {  	[tilespmem:$0x1A890] =	vst v2  }
0x2a: {  	[tilespmem:$0x1A8A0] =	vst v2  }
0x2b: {  	[tilespmem:$0x1A8B0] =	vst v2  }
0x2c: {  	[tilespmem:$0x1A8C0] =	vst v2  }
0x2d: {  	[tilespmem:$0x1A8D0] =	vst v2  }
0x2e: {  	[tilespmem:$0x1A8E0] =	vst v2  }
0x2f: {  	[tilespmem:$0x1A8F0] =	vst v2  }
0x30: {  	[tilespmem:$0x1A900] =	vst v2;
	s0 =	simm.s32 $0x40;
	s1 =	simm.s32 $0x0  }
.LBB2_2:
0x31: {  	p0 =	sne.s32 s0, $0x7C0;
	[tilespmem:s1+$0x1B980] =	vst v3;
	s7 =	smov.u32 s0;
	s0 =	sadd.s32 $0x40, s0  }
.Ltmp0:
0x32: {  	[tilespmem:s1+$0x1BB80] =	vst v2;
	(pc) =	sbr.rel @p0 .LBB2_2-.Ltmp0, $2  }
0x33: {  	_ =	sdelay $0x2  }
0x34: {  	s1 =	sshra.s32 s7, $0x2  }
.Ltmp1:
0x35: {  	(pc) =	sbr.rel .LBB2_4-.Ltmp1, $4  }
0x36: {  	_ = 	snop  }
0x37: {  	[tilespmem:s1+$0x1B980] =	vst v3  }
0x38: {  	[tilespmem:s1+$0x1BB80] =	vst v2;
	s26 =	simm.s32 $0x0;
	s0 =	rddreg [dreg:$0x4];
	p0 =	por $0x0, $0x0  }
0x39: {  	[tilespmem:s26], [sflag:$0x3] =	stream.strided.gather [hbm4b:s0+s11], $0x18700, s12, s11, $0x38;
	[tilespmem:$0x1FE00] =	vst v63  }
.LBB2_50:
0x3a: {  	s0 =	sadd.s32 $0x1, s30  }
0x3b: {  	s7 =	smov.u32 s8;
	p1 =	slt.s32 s0, s8  }
0x3c: {  	s7 =	smov.u32 @p1 s0  }
0x3d: {  	s0 =	sshrl.u32 s7, $0x3  }
0x3e: {  	s7 =	sshll.u32 s7, $0x7;
	s0 =	smul.u32 $0xC3800, s0  }
0x3f: {  	s26 =	sadd.s32 $0x1, s26;
	s7 =	sand.u32 $0x380, s7  }
0x40: {  	p1 =	sne.s32 s26, $0x20;
	s0 =	sor.u32 s7, s0  }
.Ltmp2:
0x41: {  	s0 =	sshrl.u32 s0, $0x3;
	(pc) =	sbr.rel @!p1 .LBB2_51-.Ltmp2, $4  }
0x42: {  	_ =	strace $0x90000054;
	s0 =	sadd.s32 s6, s0  }
0x43: {  	[tilespmem:s4], [sflag:$0x3] =	stream.strided.gather [hbm4b:s0+s11], $0x18700, s12, s11, $0x38;
	[tilespmem:$0x1FE00] =	vst v63  }
0x44: {  	s31 =	sadd.s32 $0x1BB80, s1;
	p0 =	por !p0, !p0  }
0x45: {  	[tilespmem:s19], [sflag:$0x1] =	stream.indirect.gather [hbm4b:s2+s11], $0x80, s31, s11, $0xb8;
	[tilespmem:$0x1FE00] =	vst v63  }
.LBB2_4:
0x46: {  	_ =	strace $0x80000048  }
0x47: {  	s0 =	simm.s32 $0x1;
	_ =	swait.ge [sflag:s14], $0x18700  }
0x48: {  	s0 =	simm.s32 @!p0 $0x0;
	[sflag:s14] =	ssyncset.done $0x0  }
0x49: {  	s0 =	sshll.u32 s0, $0x8;
	[sflag:s14] =	ssyncadd.s32 $0xFFFE7900  }
0x4a: {  	s1 =	simm.s32 $0x200;
	s28 =	sxor.u32 $0x180, s0;
	_ =	strace $0x90000048  }
0x4b: {  	s29 =	sxor.u32 $0x100, s0;
	s0 =	simm.s32 $0x0;
	_ =	strace $0x80000049  }
.LBB2_5:
0x4c: {  	p1 =	sne.s32 s1, $0x3E00;
	[tilespmem:s0+$0x18770] =	vst v3  }
0x4d: {  	[tilespmem:s0+$0x18700] =	vst v3  }
0x4e: {  	[tilespmem:s0+$0x18710] =	vst v3  }
.Ltmp3:
0x4f: {  	[tilespmem:s0+$0x18720] =	vst v3;
	(pc) =	sbr.rel @p1 .LBB2_5-.Ltmp3, $4  }
0x50: {  	[tilespmem:s0+$0x18730] =	vst v3  }
0x51: {  	[tilespmem:s0+$0x18740] =	vst v3  }
0x52: {  	[tilespmem:s0+$0x18750] =	vst v3  }
0x53: {  	[tilespmem:s0+$0x18760] =	vst v3;
	s0 =	sshra.s32 s1, $0x2;
	s1 =	sadd.s32 $0x200, s1  }
0x54: {  	[tilespmem:s0+$0x18770] =	vst v3  }
0x55: {  	[tilespmem:s0+$0x18700] =	vst v3  }
0x56: {  	[tilespmem:s0+$0x18710] =	vst v3  }
0x57: {  	[tilespmem:s0+$0x18720] =	vst v3  }
0x58: {  	[tilespmem:s0+$0x18730] =	vst v3  }
0x59: {  	[tilespmem:s0+$0x18740] =	vst v3  }
0x5a: {  	[tilespmem:s0+$0x18750] =	vst v3  }
0x5b: {  	[tilespmem:s0+$0x18760] =	vst v3  }
0x5c: {  	_ =	strace $0x90000049  }
0x5d: {  	s21 =	simm.s32 $0xC0;
	_ =	strace $0x8000004A  }
0x5e: {  	v7 =	vld [tilespmem:s21+$0xFFFFFF50]  }
0x5f: {  	v8 =	vld [tilespmem:s21+$0xFFFFFF40]  }
0x60: {  	v9 =	vld [tilespmem:s21+$0xFFFFFF60]  }
0x61: {  	v10 =	vld [tilespmem:s21+$0xFFFFFF70]  }
0x62: {  	v11 =	vld [tilespmem:s21+$0xFFFFFF80]  }
0x63: {  	v12 =	vld [tilespmem:s21+$0xFFFFFF90]  }
0x64: {  	s1 =	simm.s32 $0x0;
	v7 =	vmax.f32 v8, v7;
	v8 =	vld [tilespmem:s21+$0xFFFFFFA0]  }
0x65: {  	s1 =	sand.u32 $0x1FFF0, s1;
	v7 =	vmax.f32 v7, v9;
	v9 =	vld [tilespmem:s21+$0xFFFFFFB0]  }
0x66: {  	v7 =	vmax.f32 v7, v10;
	v10 =	vld [tilespmem:s1+$0x80]  }
0x67: {  	v7 =	vmax.f32 v7, v11;
	v11 =	vld [tilespmem:s21+$0xFFFFFFD0]  }
0x68: {  	v61 =	vld [tilespmem:s21+$0xFFFFFFE0];
	v7 =	vmax.f32 v7, v12  }
0x69: {  	v7 =	vmax.f32 v7, v8;
	v8 =	vld [tilespmem:s21+$0xFFFFFFF0]  }
0x6a: {  	v7 =	vmax.f32 v7, v9;
	v9 =	vld [tilespmem:s21+$0x0]  }
0x6b: {  	v7 =	vmax.f32 v7, v10;
	v10 =	vld [tilespmem:s21+$0x10]  }
0x6c: {  	v7 =	vmax.f32 v7, v11;
	v11 =	vld [tilespmem:s21+$0x20]  }
0x6d: {  	v62 =	vld [tilespmem:s21+$0x30];
	v7 =	vmax.f32 v7, v61  }
0x6e: {  	v7 =	vmax.f32 v7, v8;
	v8 =	vld [tilespmem:s1+$0x100]  }
0x6f: {  	v7 =	vmax.f32 v7, v9;
	v9 =	vld [tilespmem:s21+$0x50]  }
0x70: {  	v7 =	vmax.f32 v7, v10;
	v10 =	vld [tilespmem:s21+$0x60]  }
0x71: {  	v7 =	vmax.f32 v7, v11;
	v11 =	vld [tilespmem:s21+$0x70]  }
0x72: {  	v63 =	vld [tilespmem:s21+$0x80];
	v7 =	vmax.f32 v7, v62  }
0x73: {  	v7 =	vmax.f32 v7, v8;
	v8 =	vld [tilespmem:s21+$0x90]  }
0x74: {  	v7 =	vmax.f32 v7, v9;
	v9 =	vld [tilespmem:s21+$0xA0]  }
0x75: {  	v7 =	vmax.f32 v7, v10;
	v10 =	vld [tilespmem:s21+$0xB0]  }
0x76: {  	v7 =	vmax.f32 v7, v11;
	v11 =	vld [tilespmem:s1+$0x180]  }
0x77: {  	v7 =	vmax.f32 v7, v63  }
0x78: {  	v7 =	vmax.f32 v7, v8  }
0x79: {  	v7 =	vmax.f32 v7, v9  }
0x7a: {  	v7 =	vmax.f32 v7, v10  }
0x7b: {  	s1 =	simm.s32 $0x19700;
	v7 =	vmax.f32 v7, v11  }
0x7c: {  	s30 =	simm.s32 $0x250;
	[tilespmem:s1+$0x0] =	vst v7  }
0x7d: {  	v7 =	vld [tilespmem:s30+$0xFFFFFF50]  }
0x7e: {  	s0 =	simm.s32 $0x190;
	s31 =	simm.s32 $0x320;
	v8 =	vld [tilespmem:s30+$0xFFFFFF40]  }
.LBB2_7:
0x7f: {  	p1 =	sne.s32 s31, $0x18510;
	v9 =	vld [tilespmem:s30+$0xFFFFFF60]  }
0x80: {  	v10 =	vld [tilespmem:s30+$0xFFFFFF70]  }
0x81: {  	v11 =	vld [tilespmem:s30+$0xFFFFFF80]  }
0x82: {  	v12 =	vld [tilespmem:s30+$0xFFFFFF90]  }
0x83: {  	v7 =	vmax.f32 v8, v7;
	v8 =	vld [tilespmem:s30+$0xFFFFFFA0]  }
0x84: {  	s7 =	sand.u32 $0x1FFF0, s0;
	s0 =	smov.u32 s31;
	v7 =	vmax.f32 v7, v9;
	v9 =	vld [tilespmem:s30+$0xFFFFFFB0]  }
0x85: {  	v7 =	vmax.f32 v7, v10;
	v10 =	vld [tilespmem:s7+$0x80]  }
0x86: {  	v7 =	vmax.f32 v7, v11;
	v11 =	vld [tilespmem:s30+$0xFFFFFFD0]  }
0x87: {  	v7 =	vmax.f32 v7, v12;
	v12 =	vld [tilespmem:s30+$0xFFFFFFE0]  }
0x88: {  	v7 =	vmax.f32 v7, v8;
	v8 =	vld [tilespmem:s30+$0xFFFFFFF0]  }
0x89: {  	v7 =	vmax.f32 v7, v9;
	v9 =	vld [tilespmem:s30+$0x0]  }
0x8a: {  	v7 =	vmax.f32 v7, v10;
	v10 =	vld [tilespmem:s30+$0x10]  }
0x8b: {  	v7 =	vmax.f32 v7, v11;
	v11 =	vld [tilespmem:s30+$0x20]  }
0x8c: {  	v7 =	vmax.f32 v7, v12;
	v12 =	vld [tilespmem:s30+$0x30]  }
0x8d: {  	v7 =	vmax.f32 v7, v8;
	v8 =	vld [tilespmem:s7+$0x100]  }
0x8e: {  	v7 =	vmax.f32 v7, v9;
	v9 =	vld [tilespmem:s30+$0x50]  }
0x8f: {  	v7 =	vmax.f32 v7, v10;
	v10 =	vld [tilespmem:s30+$0x60]  }
0x90: {  	v7 =	vmax.f32 v7, v11;
	v11 =	vld [tilespmem:s30+$0x70]  }
0x91: {  	v7 =	vmax.f32 v7, v12;
	v12 =	vld [tilespmem:s30+$0x80]  }
0x92: {  	v7 =	vmax.f32 v7, v8;
	v8 =	vld [tilespmem:s30+$0x90]  }
0x93: {  	v7 =	vmax.f32 v7, v9;
	v9 =	vld [tilespmem:s30+$0xA0]  }
0x94: {  	v7 =	vmax.f32 v7, v10;
	v10 =	vld [tilespmem:s30+$0xB0]  }
0x95: {  	v7 =	vmax.f32 v7, v11;
	v11 =	vld [tilespmem:s7+$0x180]  }
0x96: {  	v7 =	vmax.f32 v7, v12  }
0x97: {  	v7 =	vmax.f32 v7, v8  }
0x98: {  	v7 =	vmax.f32 v7, v9  }
.Ltmp4:
0x99: {  	v7 =	vmax.f32 v7, v10;
	(pc) =	sbr.rel @p1 .LBB2_7-.Ltmp4, $4  }
0x9a: {  	s1 =	sadd.s32 $0x10, s1;
	v7 =	vmax.f32 v7, v11  }
0x9b: {  	s30 =	sadd.s32 $0x190, s30;
	[tilespmem:s1+$0x0] =	vst v7  }
0x9c: {  	v7 =	vld [tilespmem:s30+$0xFFFFFF50]  }
0x9d: {  	s31 =	sadd.s32 $0x190, s31;
	v8 =	vld [tilespmem:s30+$0xFFFFFF40]  }
0x9e: {  	v9 =	vld [tilespmem:s30+$0xFFFFFF60]  }
0x9f: {  	v10 =	vld [tilespmem:s30+$0xFFFFFF70]  }
0xa0: {  	v11 =	vld [tilespmem:s30+$0xFFFFFF80]  }
0xa1: {  	v12 =	vld [tilespmem:s30+$0xFFFFFF90]  }
0xa2: {  	v7 =	vmax.f32 v8, v7;
	v8 =	vld [tilespmem:s30+$0xFFFFFFA0]  }
0xa3: {  	v49 =	vld [tilespmem:s30+$0xFFFFFFB0];
	s0 =	sand.u32 $0x1FFF0, s0;
	v7 =	vmax.f32 v7, v9  }
0xa4: {  	v50 =	vld [tilespmem:s0+$0x80];
	v7 =	vmax.f32 v7, v10  }
0xa5: {  	v51 =	vld [tilespmem:s30+$0xFFFFFFD0];
	v7 =	vmax.f32 v7, v11  }
0xa6: {  	v52 =	vld [tilespmem:s30+$0xFFFFFFE0];
	v7 =	vmax.f32 v7, v12  }
0xa7: {  	v7 =	vmax.f32 v7, v8;
	v8 =	vld [tilespmem:s30+$0xFFFFFFF0]  }
0xa8: {  	v53 =	vld [tilespmem:s30+$0x0];
	v7 =	vmax.f32 v7, v49  }
0xa9: {  	v54 =	vld [tilespmem:s30+$0x10];
	v7 =	vmax.f32 v7, v50  }
0xaa: {  	v55 =	vld [tilespmem:s30+$0x20];
	v7 =	vmax.f32 v7, v51  }
0xab: {  	v56 =	vld [tilespmem:s30+$0x30];
	v7 =	vmax.f32 v7, v52  }
0xac: {  	v7 =	vmax.f32 v7, v8;
	v8 =	vld [tilespmem:s0+$0x100]  }
0xad: {  	v57 =	vld [tilespmem:s30+$0x50];
	v7 =	vmax.f32 v7, v53  }
0xae: {  	v58 =	vld [tilespmem:s30+$0x60];
	v7 =	vmax.f32 v7, v54  }
0xaf: {  	v59 =	vld [tilespmem:s30+$0x70];
	v7 =	vmax.f32 v7, v55  }
0xb0: {  	v60 =	vld [tilespmem:s30+$0x80];
	v7 =	vmax.f32 v7, v56  }
0xb1: {  	v7 =	vmax.f32 v7, v8;
	v8 =	vld [tilespmem:s30+$0x90]  }
0xb2: {  	v61 =	vld [tilespmem:s30+$0xA0];
	v7 =	vmax.f32 v7, v57  }
0xb3: {  	v62 =	vld [tilespmem:s30+$0xB0];
	v7 =	vmax.f32 v7, v58  }
0xb4: {  	v63 =	vld [tilespmem:s0+$0x180];
	v7 =	vmax.f32 v7, v59  }
0xb5: {  	v7 =	vmax.f32 v7, v60  }
0xb6: {  	v7 =	vmax.f32 v7, v8  }
0xb7: {  	v7 =	vmax.f32 v7, v61  }
0xb8: {  	v7 =	vmax.f32 v7, v62  }
0xb9: {  	s31 =	sadd.s32 $0x10, s1;
	v7 =	vmax.f32 v7, v63  }
0xba: {  	[tilespmem:s31+$0x0] =	vst v7  }
0xbb: {  	_ =	strace $0x9000004A  }
0xbc: {  	s0 =	simm.s32 $0x0;
	_ =	strace $0x8000004B  }
.LBB2_9:
0xbd: {  	s1 =	sshra.s32 s0, $0x2  }
0xbe: {  	v7 =	vld [tilespmem:s1+$0x19700];
	_ =	sdelay $0x4  }
0xbf: {  	v7 =	vmul.f32 $4.096000000e+03, v7;
	_ =	sdelay $0x1  }
0xc0: {  	v7 =	vtrunc.f32 v7  }
0xc1: {  	v7 =	vcvt.f32.s32 v7;
	_ =	sdelay $0x1  }
0xc2: {  	vm1 =	vgt.s32 v7, $0x0  }
0xc3: {  	v7 =	vnsel vm1, $0x0, v7  }
0xc4: {  	v7 =	vmin.u32 v7, $0xFFF;
	_ =	sdelay $0x4  }
0xc5: {  	[tilespmem:v7+s15+$0x0] =	vst.idx.add.f32.msk $0xffff, v4  }
0xc6: {  	v7 =	vld [tilespmem:s1+$0x19710];
	_ =	sdelay $0x4  }
0xc7: {  	v7 =	vmul.f32 $4.096000000e+03, v7;
	_ =	sdelay $0x1  }
0xc8: {  	v7 =	vtrunc.f32 v7  }
0xc9: {  	v7 =	vcvt.f32.s32 v7;
	_ =	sdelay $0x1  }
0xca: {  	vm1 =	vgt.s32 v7, $0x0  }
0xcb: {  	v7 =	vnsel vm1, $0x0, v7  }
0xcc: {  	v7 =	vmin.u32 v7, $0xFFF;
	_ =	sdelay $0x4  }
0xcd: {  	[tilespmem:v7+s15+$0x0] =	vst.idx.add.f32.msk $0xffff, v4  }
0xce: {  	v7 =	vld [tilespmem:s1+$0x19720];
	_ =	sdelay $0x4  }
0xcf: {  	v7 =	vmul.f32 $4.096000000e+03, v7;
	_ =	sdelay $0x1  }
0xd0: {  	v7 =	vtrunc.f32 v7  }
0xd1: {  	v7 =	vcvt.f32.s32 v7;
	_ =	sdelay $0x1  }
0xd2: {  	vm1 =	vgt.s32 v7, $0x0  }
0xd3: {  	v7 =	vnsel vm1, $0x0, v7  }
0xd4: {  	v7 =	vmin.u32 v7, $0xFFF;
	_ =	sdelay $0x4  }
0xd5: {  	[tilespmem:v7+s15+$0x0] =	vst.idx.add.f32.msk $0xffff, v4  }
0xd6: {  	v7 =	vld [tilespmem:s1+$0x19730];
	_ =	sdelay $0x4  }
0xd7: {  	v7 =	vmul.f32 $4.096000000e+03, v7;
	_ =	sdelay $0x1  }
0xd8: {  	v7 =	vtrunc.f32 v7  }
0xd9: {  	v7 =	vcvt.f32.s32 v7;
	_ =	sdelay $0x1  }
0xda: {  	vm1 =	vgt.s32 v7, $0x0  }
0xdb: {  	v7 =	vnsel vm1, $0x0, v7  }
0xdc: {  	v7 =	vmin.u32 v7, $0xFFF;
	_ =	sdelay $0x4  }
0xdd: {  	[tilespmem:v7+s15+$0x0] =	vst.idx.add.f32.msk $0xffff, v4  }
0xde: {  	v7 =	vld [tilespmem:s1+$0x19740];
	_ =	sdelay $0x4  }
0xdf: {  	v7 =	vmul.f32 $4.096000000e+03, v7;
	_ =	sdelay $0x1  }
0xe0: {  	v7 =	vtrunc.f32 v7  }
0xe1: {  	v7 =	vcvt.f32.s32 v7;
	_ =	sdelay $0x1  }
0xe2: {  	vm1 =	vgt.s32 v7, $0x0  }
0xe3: {  	v7 =	vnsel vm1, $0x0, v7  }
0xe4: {  	p1 =	sne.s32 s0, $0x3D40;
	v7 =	vmin.u32 v7, $0xFFF  }
.Ltmp5:
0xe5: {  	_ = 	snop;
	(pc) =	sbr.rel @p1 .LBB2_9-.Ltmp5, $2  }
0xe6: {  	_ =	sdelay $0x2  }
0xe7: {  	s0 =	sadd.s32 $0x140, s0;
	[tilespmem:v7+s15+$0x0] =	vst.idx.add.f32.msk $0xffff, v4  }
0xe8: {  	_ =	strace $0x9000004B;
	s1 =	simm.f32 $0.0e+00  }
0xe9: {  	s9 =	simm.s32 $0x19700;
	s0 =	simm.s32 $0xFFF;
	_ =	strace $0x8000004C  }
.LBB2_11:
0xea: {  	v7 =	vld [tilespmem:s9+$0xFFFFFFF0];
	_ =	sdelay $0x4  }
0xeb: {  	(xrf2) =	vadd.scan.msk.f32 $0xffff, v7;
	_ =	sdelay $0x9  }
0xec: {  	v7, _, _ =	vpop (xrf2)  }
0xed: {  	(v2sf) =	vpush v7, $0xF;
	_ =	sdelay $0xe  }
0xee: {  	s31 =	spop (v2sf)  }
0xef: {  	s1 =	sadd.f32 s31, s1;
	_ =	sdelay $0x1  }
0xf0: {  	p1 =	slt.f32 s1, $2.000000000e+02  }
.Ltmp6:
0xf1: {  	_ = 	snop;
	(pc) =	sbr.rel @p1 .LBB2_11-.Ltmp6, $3  }
0xf2: {  	_ =	sdelay $0x1  }
0xf3: {  	s7 =	smov.u32 s9  }
0xf4: {  	s0 =	sadd.s32 $0xFFFFFFF0, s0;
	s9 =	sadd.s32 $0xFFFFFFF0, s7  }
0xf5: {  	_ =	strace $0x9000004C  }
0xf6: {  	v7 =	vld [tilespmem:s7+$0xFFFFFFF0];
	_ =	sdelay $0x4  }
0xf7: {  	(xrf2) =	vadd.scan.msk.f32 $0xffff, v7;
	_ =	sdelay $0x9  }
0xf8: {  	v8, _, _ =	vpop (xrf2)  }
0xf9: {  	(v2sf) =	vpush v8, $0xF;
	_ =	sdelay $0x2  }
0xfa: {  	v7 =	vperm.xlane v7, v5;
	_ =	sdelay $0x1  }
0xfb: {  	(xrf2) =	vadd.scan.msk.f32 $0xffff, v7;
	_ =	sdelay $0x9  }
0xfc: {  	v7, _, _ =	vpop (xrf2);
	s21 =	spop (v2sf)  }
0xfd: {  	v7 =	vperm.xlane v7, v5;
	s1 =	ssub.f32 s1, s21;
	_ =	sdelay $0x1  }
0xfe: {  	v7 =	vadd.f32 s1, v7;
	_ =	sdelay $0x1  }
0xff: {  	vm1 =	vge.f32 v7, $2.000000000e+02  }
0x100: {  	v7 =	vsel vm1, $0x1, v2  }
0x101: {  	(xrf0) =	vadd.scan.msk.s32 $0xffff, v7;
	_ =	sdelay $0x5  }
0x102: {  	v7, _, _ =	vpop (xrf0)  }
0x103: {  	(v2sf) =	vpush v7, $0xF;
	_ =	sdelay $0xe  }
0x104: {  	s9 =	spop (v2sf)  }
0x105: {  	s1 =	simm.s32 $0x19720;
	s0 =	sadd.s32 s0, s9;
	_ =	strace $0x8000004D  }
0x106: {  	s0 =	scvt.s32.f32 s0;
	v8 =	vld [tilespmem:s1+$0xFFFFFFE0];
	_ =	sdelay $0x1  }
0x107: {  	s0 =	smul.f32 $2.441406250e-04, s0;
	_ =	sdelay $0x1  }
0x108: {  	v7 =	vmov s0  }
0x109: {  	vm1 =	vge.f32 v8, v7  }
0x10a: {  	v8 =	vsel vm1, $0x1, v2  }
0x10b: {  	(xrf0) =	vadd.scan.msk.s32 $0xffff, v8;
	_ =	sdelay $0x5  }
0x10c: {  	s9 =	simm.s32 $0x0;
	v8, _, _ =	vpop (xrf0)  }
0x10d: {  	s10 =	simm.s32 $0x0;
	v9 =	vor.u32 s9, v0;
	(v2sf) =	vpush v8, $0xF  }
0x10e: {  	[tilespmem:s10+$0x1A980] =	vst.msk vm1, v9  }
0x10f: {  	v8 =	vld [tilespmem:s1+$0xFFFFFFF0];
	_ =	sdelay $0x4  }
0x110: {  	vm1 =	vge.f32 v8, v7  }
0x111: {  	v8 =	vsel vm1, $0x1, v2  }
0x112: {  	(xrf0) =	vadd.scan.msk.s32 $0xffff, v8;
	_ =	sdelay $0x5  }
0x113: {  	s21 =	simm.s32 $0x10;
	v8, _, _ =	vpop (xrf0);
	s10 =	spop (v2sf)  }
0x114: {  	v9 =	vor.u32 s21, v0;
	(v2sf) =	vpush v8, $0xF;
	s9 =	sadd.s32 $0x0, s10  }
0x115: {  	[tilespmem:s9+$0x1A980] =	vst.msk vm1, v9  }
0x116: {  	v8 =	vld [tilespmem:s1+$0x0];
	_ =	sdelay $0x4  }
0x117: {  	vm1 =	vge.f32 v8, v7  }
0x118: {  	v8 =	vsel vm1, $0x1, v2  }
0x119: {  	(xrf0) =	vadd.scan.msk.s32 $0xffff, v8;
	_ =	sdelay $0x5  }
0x11a: {  	s21 =	simm.s32 $0x20;
	s10 =	spop (v2sf);
	v8, _, _ =	vpop (xrf0)  }
0x11b: {  	v9 =	vor.u32 s21, v0;
	s9 =	sadd.s32 s9, s10;
	(v2sf) =	vpush v8, $0xF  }
0x11c: {  	[tilespmem:s9+$0x1A980] =	vst.msk vm1, v9  }
0x11d: {  	v8 =	vld [tilespmem:s1+$0x10];
	_ =	sdelay $0x4  }
0x11e: {  	vm1 =	vge.f32 v8, v7  }
0x11f: {  	v8 =	vsel vm1, $0x1, v2  }
0x120: {  	(xrf0) =	vadd.scan.msk.s32 $0xffff, v8;
	_ =	sdelay $0x5  }
0x121: {  	s7 =	simm.s32 $0x30;
	v8, _, _ =	vpop (xrf0);
	s21 =	spop (v2sf)  }
0x122: {  	v9 =	vor.u32 s7, v0;
	(v2sf) =	vpush v8, $0xF;
	s9 =	sadd.s32 s9, s21  }
0x123: {  	[tilespmem:s9+$0x1A980] =	vst.msk vm1, v9  }
0x124: {  	v8 =	vld [tilespmem:s1+$0x20];
	_ =	sdelay $0x4  }
0x125: {  	vm1 =	vge.f32 v8, v7  }
0x126: {  	v8 =	vsel vm1, $0x1, v2  }
0x127: {  	(xrf0) =	vadd.scan.msk.s32 $0xffff, v8;
	_ =	sdelay $0x5  }
0x128: {  	s0 =	simm.s32 $0x40;
	s21 =	spop (v2sf);
	v8, _, _ =	vpop (xrf0)  }
0x129: {  	v9 =	vor.u32 s0, v0;
	s21 =	sadd.s32 s9, s21;
	(v2sf) =	vpush v8, $0xF  }
0x12a: {  	s30 =	simm.s32 $0x19770;
	[tilespmem:s21+$0x1A980] =	vst.msk vm1, v9  }
0x12b: {  	v8 =	vld [tilespmem:s30+$0xFFFFFFE0];
	_ =	sdelay $0x4  }
0x12c: {  	vm1 =	vge.f32 v8, v7  }
0x12d: {  	v8 =	vsel vm1, $0x1, v2  }
0x12e: {  	(xrf0) =	vadd.scan.msk.s32 $0xffff, v8;
	_ =	sdelay $0x4  }
0x12f: {  	s31 =	simm.s32 $0xE0  }
0x130: {  	s0 =	simm.s32 $0x50;
	s1 =	simm.s32 $0x90;
	v8, _, _ =	vpop (xrf0);
	s7 =	spop (v2sf)  }
.LBB2_13:
0x131: {  	p1 =	seq.s32 s31, $0xF90  }
0x132: {  	v9 =	vor.u32 s0, v0;
	(v2sf) =	vpush v8, $0xF;
	s7 =	sadd.s32 s21, s7;
	s0 =	smov.u32 s31;
	s31 =	sadd.s32 $0x50, s31  }
0x133: {  	[tilespmem:s7+$0x1A980] =	vst.msk vm1, v9  }
0x134: {  	v8 =	vld [tilespmem:s30+$0xFFFFFFF0];
	_ =	sdelay $0x4  }
0x135: {  	vm1 =	vge.f32 v8, v7  }
0x136: {  	v8 =	vsel vm1, $0x1, v2  }
0x137: {  	(xrf0) =	vadd.scan.msk.s32 $0xffff, v8;
	_ =	sdelay $0x5  }
0x138: {  	s9 =	sadd.s32 $0xFFFFFFD0, s1;
	s10 =	spop (v2sf);
	v8, _, _ =	vpop (xrf0)  }
0x139: {  	v9 =	vor.u32 s9, v0;
	s7 =	sadd.s32 s7, s10;
	(v2sf) =	vpush v8, $0xF  }
0x13a: {  	[tilespmem:s7+$0x1A980] =	vst.msk vm1, v9  }
0x13b: {  	v8 =	vld [tilespmem:s30+$0x0];
	_ =	sdelay $0x4  }
0x13c: {  	vm1 =	vge.f32 v8, v7  }
0x13d: {  	v8 =	vsel vm1, $0x1, v2  }
0x13e: {  	(xrf0) =	vadd.scan.msk.s32 $0xffff, v8;
	_ =	sdelay $0x5  }
0x13f: {  	s9 =	sadd.s32 $0xFFFFFFE0, s1;
	s10 =	spop (v2sf);
	v8, _, _ =	vpop (xrf0)  }
0x140: {  	v9 =	vor.u32 s9, v0;
	s7 =	sadd.s32 s7, s10;
	(v2sf) =	vpush v8, $0xF  }
0x141: {  	[tilespmem:s7+$0x1A980] =	vst.msk vm1, v9  }
0x142: {  	v8 =	vld [tilespmem:s30+$0x10];
	_ =	sdelay $0x4  }
0x143: {  	vm1 =	vge.f32 v8, v7  }
0x144: {  	v8 =	vsel vm1, $0x1, v2  }
0x145: {  	(xrf0) =	vadd.scan.msk.s32 $0xffff, v8;
	_ =	sdelay $0x5  }
0x146: {  	s9 =	sadd.s32 $0xFFFFFFF0, s1;
	s10 =	spop (v2sf);
	v8, _, _ =	vpop (xrf0)  }
0x147: {  	v9 =	vor.u32 s9, v0;
	s7 =	sadd.s32 s7, s10;
	(v2sf) =	vpush v8, $0xF  }
0x148: {  	[tilespmem:s7+$0x1A980] =	vst.msk vm1, v9  }
0x149: {  	v8 =	vld [tilespmem:s30+$0x20];
	_ =	sdelay $0x4  }
0x14a: {  	vm1 =	vge.f32 v8, v7  }
0x14b: {  	v8 =	vsel vm1, $0x1, v2  }
0x14c: {  	(xrf0) =	vadd.scan.msk.s32 $0xffff, v8;
	_ =	sdelay $0x5  }
0x14d: {  	s9 =	spop (v2sf);
	v8, _, _ =	vpop (xrf0)  }
0x14e: {  	v9 =	vor.u32 s1, v0;
	s1 =	smov.u32 s0;
	s21 =	sadd.s32 s7, s9;
	(v2sf) =	vpush v8, $0xF  }
0x14f: {  	s30 =	sadd.s32 $0x50, s30;
	[tilespmem:s21+$0x1A980] =	vst.msk vm1, v9  }
0x150: {  	v8 =	vld [tilespmem:s30+$0xFFFFFFE0];
	_ =	sdelay $0x4  }
0x151: {  	vm1 =	vge.f32 v8, v7  }
0x152: {  	v8 =	vsel vm1, $0x1, v2  }
0x153: {  	(xrf0) =	vadd.scan.msk.s32 $0xffff, v8;
	_ =	sdelay $0x1  }
.Ltmp7:
0x154: {  	(pc) =	sbr.rel @!p1 .LBB2_13-.Ltmp7, $2  }
0x155: {  	_ =	sdelay $0x2  }
0x156: {  	s0 =	sadd.s32 $0xFFFFFFC0, s1;
	v8, _, _ =	vpop (xrf0);
	s7 =	spop (v2sf)  }
0x157: {  	(v2sf) =	vpush v8, $0xF;
	_ =	sdelay $0x8  }
0x158: {  	v8 =	vor.u32 s0, v0;
	s21 =	sadd.s32 s21, s7  }
0x159: {  	[tilespmem:s21+$0x1A980] =	vst.msk vm1, v8  }
0x15a: {  	v8 =	vld [tilespmem:s30+$0xFFFFFFF0];
	_ =	sdelay $0x3  }
0x15b: {  	s31 =	sadd.s32 $0xFFFFFFD0, s1;
	s9 =	spop (v2sf)  }
0x15c: {  	vm1 =	vge.f32 v8, v7;
	v8 =	vor.u32 s31, v0;
	s0 =	sadd.s32 s21, s9  }
0x15d: {  	v9 =	vsel vm1, $0x1, v2;
	[tilespmem:s0+$0x1A980] =	vst.msk vm1, v8  }
0x15e: {  	(xrf0) =	vadd.scan.msk.s32 $0xffff, v9;
	v8 =	vld [tilespmem:s30+$0x0];
	_ =	sdelay $0x4  }
0x15f: {  	vm1 =	vge.f32 v8, v7  }
0x160: {  	v8, _, _ =	vpop (xrf0);
	v62 =	vsel vm1, $0x1, v2  }
0x161: {  	(v2sf) =	vpush v8, $0xF;
	(xrf0) =	vadd.scan.msk.s32 $0xffff, v62;
	_ =	sdelay $0x5  }
0x162: {  	v8, _, _ =	vpop (xrf0)  }
0x163: {  	(v2sf) =	vpush v8, $0xF;
	_ =	sdelay $0x7  }
0x164: {  	s10 =	sadd.s32 $0xFFFFFFE0, s1;
	s21 =	spop (v2sf)  }
0x165: {  	v8 =	vor.u32 s10, v0;
	s0 =	sadd.s32 s0, s21  }
0x166: {  	[tilespmem:s0+$0x1A980] =	vst.msk vm1, v8  }
0x167: {  	v8 =	vld [tilespmem:s30+$0x10];
	_ =	sdelay $0x3  }
0x168: {  	s31 =	sadd.s32 $0xFFFFFFF0, s1;
	s10 =	spop (v2sf)  }
0x169: {  	vm1 =	vge.f32 v8, v7;
	v8 =	vor.u32 s31, v0;
	s0 =	sadd.s32 s0, s10  }
0x16a: {  	[tilespmem:s0+$0x1A980] =	vst.msk vm1, v8  }
0x16b: {  	v8 =	vld [tilespmem:s30+$0x20];
	_ =	sdelay $0x4  }
0x16c: {  	v63 =	vsel vm1, $0x1, v2;
	vm1 =	vge.f32 v8, v7  }
0x16d: {  	(xrf0) =	vadd.scan.msk.s32 $0xffff, v63;
	v8 =	vsel vm1, $0x1, v2  }
0x16e: {  	(xrf0) =	vadd.scan.msk.s32 $0xffff, v8;
	_ =	sdelay $0x4  }
0x16f: {  	v8, _, _ =	vpop (xrf0)  }
0x170: {  	(v2sf) =	vpush v8, $0xF;
	v8, _, _ =	vpop (xrf0)  }
0x171: {  	(v2sf) =	vpush v8, $0xF;
	_ =	sdelay $0xd  }
0x172: {  	s21 =	spop (v2sf)  }
0x173: {  	s0 =	sadd.s32 s0, s21;
	s31 =	spop (v2sf)  }
0x174: {  	s30 =	sadd.s32 s0, s31  }
0x175: {  	p1 =	sgt.s32 s30, $0x0  }
.Ltmp8:
0x176: {  	_ = 	snop;
	(pc) =	sbr.rel @!p1 .LBB2_20-.Ltmp8, $3  }
0x177: {  	_ =	sdelay $0x1  }
0x178: {  	v8 =	vor.u32 s1, v0  }
0x179: {  	s1 =	simm.s32 $0x0;
	[tilespmem:s0+$0x1A980] =	vst.msk vm1, v8;
	s0 =	simm.s32 $0x0  }
0x17a: {  	v8 =	vmov s1;
	p2 =	sgt.s32 s30, $0x1  }
.Ltmp9:
0x17b: {  	_ = 	snop;
	(pc) =	sbr.rel @!p2 .LBB2_16-.Ltmp9, $2  }
0x17c: {  	_ =	sdelay $0x2  }
0x17d: {  	s0 =	simm.s32 $0x1;
	p1 =	por $0x0, $0x0;
	v8 =	vld.idx.msk [tilespmem:v8+s16+$0x0], $0xffff  }
0x17e: {  	_ =	sdelay $0x3  }
0x17f: {  	v9 =	vshrl.u32 v8, $0x4  }
0x180: {  	v9 =	vmul.u32 $0x190, v9  }
0x181: {  	v8 =	vand.u32 $0xF, v8  }
0x182: {  	v8 =	vor.u32 v8, v9  }
0x183: {  	v9 =	vadd.s32 v1, v8;
	_ =	sdelay $0x4  }
0x184: {  	v8 =	vadd.s32 v6, v8;
	v10 =	vld.idx.msk [tilespmem:v9+s4+$0x0], $0xffff  }
0x185: {  	vm1 =	vlt.s32 v8, $0x1869F  }
0x186: {  	v11 =	vnsel vm1, $0x1869F, v8;
	_ =	sdelay $0x1  }
0x187: {  	p1 =	por $0x1, $0x1;
	s7 =	simm.s32 $0x0  }
0x188: {  	s7 =	simm.s32 @!p1 $0x200;
	vm1 =	vge.f32 v10, v7  }
0x189: {  	[tilespmem:s7+$0x1A700] =	vst.msk vm1, v9  }
0x18a: {  	v9 =	vld.idx.msk [tilespmem:v11+s4+$0x0], $0xffff;
	_ =	sdelay $0x2  }
0x18b: {  	v10 =	vsel vm1, $0x1, v2  }
0x18c: {  	(xrf0) =	vadd.scan.msk.s32 $0xffff, v10  }
0x18d: {  	vm1 =	vge.f32 v9, v7  }
0x18e: {  	vm1 =	vmand vm1, vm0  }
0x18f: {  	v9 =	vsel vm1, $0x1, v2;
	_ =	sdelay $0x2  }
0x190: {  	(xrf0) =	vadd.scan.msk.s32 $0xffff, v9;
	v9, _, _ =	vpop (xrf0)  }
0x191: {  	(v2sf) =	vpush v9, $0xF;
	_ =	sdelay $0x6  }
0x192: {  	v9, _, _ =	vpop (xrf0)  }
0x193: {  	(v2sf) =	vpush v9, $0xF;
	_ =	sdelay $0x6  }
0x194: {  	v9 =	vmov s0;
	s31 =	spop (v2sf)  }
0x195: {  	s21 =	sadd.s32 s7, s31  }
0x196: {  	p1 =	slt.s32 s21, $0x200  }
0x197: {  	p2 =	sgt.s32 s30, $0x2;
	s21 =	simm.s32 @!p1 $0x200  }
.Ltmp10:
0x198: {  	[tilespmem:s21+$0x1A700] =	vst.msk vm1, v8;
	(pc) =	sbr.rel @!p2 .LBB2_19-.Ltmp10, $2  }
0x199: {  	v8 =	vld.idx.msk [tilespmem:v9+s16+$0x0], $0xffff;
	_ =	sdelay $0x2  }
0x19a: {  	s0 =	simm.s32 $0x2;
	p1 =	por $0x1, $0x1;
	s7 =	spop (v2sf)  }
.LBB2_18:
0x19b: {  	s21 =	sadd.s32 s21, s7;
	s31 =	smov.u32 s0;
	s0 =	sadd.s32 $0x1, s0  }
0x19c: {  	v9 =	vshrl.u32 v8, $0x4;
	p2 =	slt.s32 s0, s30;
	p3 =	slt.s32 s21, $0x200  }
0x19d: {  	v9 =	vmul.u32 $0x190, v9  }
0x19e: {  	v8 =	vand.u32 $0xF, v8  }
0x19f: {  	v8 =	vor.u32 v8, v9  }
0x1a0: {  	v9 =	vadd.s32 v1, v8;
	_ =	sdelay $0x4  }
0x1a1: {  	v10 =	vld.idx.msk [tilespmem:v9+s4+$0x0], $0xffff  }
0x1a2: {  	v8 =	vadd.s32 v6, v8  }
0x1a3: {  	vm1 =	vlt.s32 v8, $0x1869F  }
0x1a4: {  	v11 =	vnsel vm1, $0x1869F, v8;
	_ =	sdelay $0x2  }
0x1a5: {  	s21 =	simm.s32 @!p3 $0x200;
	vm1 =	vge.f32 v10, v7  }
0x1a6: {  	[tilespmem:s21+$0x1A700] =	vst.msk vm1, v9;
	v9 =	vsel vm1, $0x1, v2  }
0x1a7: {  	v10 =	vld.idx.msk [tilespmem:v11+s4+$0x0], $0xffff;
	(xrf0) =	vadd.scan.msk.s32 $0xffff, v9;
	_ =	sdelay $0x5  }
0x1a8: {  	vm1 =	vge.f32 v10, v7;
	v9, _, _ =	vpop (xrf0)  }
0x1a9: {  	vm1 =	vmand vm1, vm0;
	(v2sf) =	vpush v9, $0xF  }
0x1aa: {  	v9 =	vsel vm1, $0x1, v2  }
0x1ab: {  	(xrf0) =	vadd.scan.msk.s32 $0xffff, v9;
	_ =	sdelay $0x5  }
0x1ac: {  	v9, _, _ =	vpop (xrf0)  }
0x1ad: {  	(v2sf) =	vpush v9, $0xF;
	_ =	sdelay $0x5  }
0x1ae: {  	v9 =	vmov s31;
	s7 =	spop (v2sf)  }
0x1af: {  	s21 =	sadd.s32 s21, s7  }
0x1b0: {  	p3 =	slt.s32 s21, $0x200  }
0x1b1: {  	s21 =	simm.s32 @!p3 $0x200  }
0x1b2: {  	[tilespmem:s21+$0x1A700] =	vst.msk vm1, v8  }
.Ltmp11:
0x1b3: {  	v8 =	vld.idx.msk [tilespmem:v9+s16+$0x0], $0xffff;
	(pc) =	sbr.rel @p2 .LBB2_18-.Ltmp11, $2  }
0x1b4: {  	_ =	sdelay $0x2  }
0x1b5: {  	s7 =	spop (v2sf)  }
.LBB2_19:
0x1b6: {  	_ = 	snop  }
0x1b7: {  	v9 =	vshrl.u32 v8, $0x4  }
0x1b8: {  	v9 =	vmul.u32 $0x190, v9  }
0x1b9: {  	v8 =	vand.u32 $0xF, v8  }
0x1ba: {  	v8 =	vor.u32 v8, v9  }
0x1bb: {  	v9 =	vadd.s32 v1, v8;
	_ =	sdelay $0x4  }
0x1bc: {  	v8 =	vadd.s32 v6, v8;
	v10 =	vld.idx.msk [tilespmem:v9+s4+$0x0], $0xffff  }
0x1bd: {  	vm1 =	vlt.s32 v8, $0x1869F  }
0x1be: {  	s0 =	sadd.s32 @p1 s21, s7;
	s7 =	simm.s32 $0x0;
	v11 =	vnsel vm1, $0x1869F, v8  }
0x1bf: {  	s7 =	smov.u32 @p1 s0  }
0x1c0: {  	p1 =	slt.s32 s7, $0x200  }
0x1c1: {  	s7 =	simm.s32 @!p1 $0x200;
	vm1 =	vge.f32 v10, v7  }
0x1c2: {  	[tilespmem:s7+$0x1A700] =	vst.msk vm1, v9  }
0x1c3: {  	v9 =	vld.idx.msk [tilespmem:v11+s4+$0x0], $0xffff;
	_ =	sdelay $0x3  }
0x1c4: {  	v10 =	vsel vm1, $0x1, v2  }
0x1c5: {  	(xrf0) =	vadd.scan.msk.s32 $0xffff, v10;
	vm1 =	vge.f32 v9, v7  }
0x1c6: {  	vm1 =	vmand vm1, vm0  }
0x1c7: {  	v7 =	vsel vm1, $0x1, v2  }
0x1c8: {  	(xrf0) =	vadd.scan.msk.s32 $0xffff, v7;
	_ =	sdelay $0x2  }
0x1c9: {  	v7, _, _ =	vpop (xrf0)  }
0x1ca: {  	(v2sf) =	vpush v7, $0xF;
	_ =	sdelay $0x1  }
0x1cb: {  	v7, _, _ =	vpop (xrf0)  }
0x1cc: {  	(v2sf) =	vpush v7, $0xF;
	_ =	sdelay $0xb  }
0x1cd: {  	s30 =	spop (v2sf)  }
0x1ce: {  	s0 =	sadd.s32 s7, s30  }
0x1cf: {  	p1 =	slt.s32 s0, $0x200  }
0x1d0: {  	s0 =	simm.s32 @!p1 $0x200;
	s31 =	spop (v2sf)  }
0x1d1: {  	[tilespmem:s0+$0x1A700] =	vst.msk vm1, v8;
	s0 =	sadd.s32 s0, s31  }
.LBB2_20:
0x1d2: {  	s7 =	sadd.s32 $0xF, s0  }
0x1d3: {  	_ =	strace $0x9000004D;
	s31 =	sshra.s32 s7, $0x4  }
0x1d4: {  	s30 =	sor.u32 s5, s26;
	v7 =	vmov s0;
	v8 =	vimm.s32 $0x0;
	v9 =	vimm.s32 $0x7F7FFFFF;
	_ =	strace $0x8000004E;
	p1 =	slt.s32 s31, $0x1  }
.LBB2_21:
0x1d5: {  	v10 =	vadd.s32 $0xFFFFFFFF, v8;
	s1 =	sadd.s32 $0x1, s1  }
.LBB2_22:
.Ltmp12:
0x1d6: {  	(pc) =	sbr.rel @!p1 .LBB2_23-.Ltmp12, $4  }
0x1d7: {  	_ = 	snop  }
0x1d8: {  	v11 =	vsub.s32 v9, v8  }
0x1d9: {  	v11 =	vadd.s32 $0x1, v11  }
0x1da: {  	v11 =	vshra.s32 v11, $0x1  }
0x1db: {  	s1 =	sadd.s32 $0x1, s1  }
0x1dc: {  	p2 =	seq.s32 s1, $0x20  }
.Ltmp13:
0x1dd: {  	_ = 	snop;
	(pc) =	sbr.rel @!p2 .LBB2_22-.Ltmp13, $4  }
.Ltmp14:
0x1de: {  	_ = 	snop;
	(pc) =	sbr.rel @p2 .LBB2_34-.Ltmp14, $4  }
0x1df: {  	_ = 	snop  }
0x1e0: {  	_ = 	snop  }
0x1e1: {  	v9 =	vadd.s32 v10, v11  }
0x1e2: {  	_ = 	snop  }
.LBB2_23:
0x1e3: {  	p2 =	sne.s32 s31, $0x1  }
.Ltmp15:
0x1e4: {  	_ = 	snop;
	(pc) =	sbr.rel @!p2 .LBB2_24-.Ltmp15, $3  }
0x1e5: {  	_ =	sdelay $0x1  }
0x1e6: {  	s0 =	simm.s32 $0x1A700;
	s21 =	simm.s32 $0x0  }
0x1e7: {  	v10 =	vadd.s32 v8, v11;
	v11 =	vimm.s32 $0x0;
	p3 =	por $0x0, $0x0;
	p4 =	por $0x0, $0x0;
	v12 =	vld [tilespmem:s0+$0x0];
	s0 =	sadd.s32 $0xFFFFFFFF, s31  }
0x1e8: {  	_ =	sdelay $0x3  }
0x1e9: {  	p5 =	sne.s32 s0, $0x1  }
.Ltmp16:
0x1ea: {  	_ = 	snop;
	(pc) =	sbr.rel @!p5 .LBB2_26-.Ltmp16, $3  }
0x1eb: {  	_ =	sdelay $0x1  }
0x1ec: {  	s7 =	simm.s32 $0x1A710;
	v14 =	vld.idx.msk [tilespmem:v12+s4+$0x0], $0xffff  }
0x1ed: {  	p3 =	por $0x1, $0x1;
	v12 =	vld [tilespmem:s7+$0x0];
	s7 =	sadd.s32 $0xFFFFFFFF, s0  }
0x1ee: {  	_ =	sdelay $0x3  }
0x1ef: {  	v13 =	vor.u32 s21, v0;
	p5 =	sne.s32 s7, $0x1  }
.Ltmp17:
0x1f0: {  	vm2 =	vlt.s32 v13, v7;
	vm1 =	vle.s32 v10, v14;
	(pc) =	sbr.rel @!p5 .LBB2_28-.Ltmp17, $4  }
0x1f1: {  	vm1 =	vmand vm2, vm1  }
0x1f2: {  	v13 =	vmpcnt.ones.xlane vm1  }
0x1f3: {  	s9 =	simm.s32 $0x1A720;
	v14 =	vld.idx.msk [tilespmem:v12+s4+$0x0], $0xffff  }
0x1f4: {  	s10 =	sadd.s32 $0xFFFFFFFF, s7;
	p4 =	por $0x1, $0x1;
	s7 =	simm.s32 $0x0;
	v12 =	vld [tilespmem:s9+$0x0];
	v13 =	vadd.s32 v11, v13  }
.LBB2_29:
0x1f5: {  	p5 =	sne.s32 s10, $0x1;
	_ =	sdelay $0x1  }
0x1f6: {  	s7 =	sadd.s32 $0x10, s7  }
0x1f7: {  	v15 =	vor.u32 s7, v0  }
.Ltmp18:
0x1f8: {  	vm2 =	vlt.s32 v15, v7;
	vm1 =	vle.s32 v10, v14;
	(pc) =	sbr.rel @p5 .LBB2_29-.Ltmp18, $4  }
0x1f9: {  	vm1 =	vmand vm2, vm1  }
0x1fa: {  	v15 =	vmpcnt.ones.xlane vm1  }
0x1fb: {  	s9 =	sadd.s32 $0x10, s9;
	v14 =	vld.idx.msk [tilespmem:v12+s4+$0x0], $0xffff  }
0x1fc: {  	s10 =	sadd.s32 $0xFFFFFFFF, s10;
	v13 =	vadd.s32 v13, v15;
	v12 =	vld [tilespmem:s9+$0x0]  }
.LBB2_30:
0x1fd: {  	_ =	sdelay $0x5  }
0x1fe: {  	s7 =	sadd.s32 @p4 $0x10, s7;
	s9 =	simm.s32 $0x0  }
0x1ff: {  	s9 =	smov.u32 @p4 s7  }
0x200: {  	v15 =	vor.u32 @p3 s9, v0;
	v12 =	vld.idx.msk [tilespmem:v12+s4+$0x0], $0xffff  }
0x201: {  	vm1 =	vle.s32 @p3 v10, v14;
	vm2 =	vlt.s32 @p3 v15, v7  }
0x202: {  	s7 =	sadd.s32 @p3 $0x10, s9;
	vm1 =	vmand @p3 vm2, vm1  }
0x203: {  	s21 =	smov.u32 @p3 s7;
	v15 =	vmpcnt.ones.xlane @p3 vm1  }
0x204: {  	v62 =	vor.u32 s21, v0  }
0x205: {  	vm2 =	vlt.s32 v62, v7;
	vm1 =	vle.s32 v10, v12;
	v12 =	vadd.s32 @p3 v13, v15  }
0x206: {  	vm1 =	vmand vm2, vm1;
	v11 =	vpsel p3, v12, v11;
	p3 =	seq.s32 s1, $0x1F  }
.Ltmp19:
0x207: {  	v63 =	vmpcnt.ones.xlane vm1;
	(pc) =	sbr.rel @!p3 .LBB2_21-.Ltmp19, $4  }
.Ltmp20:
0x208: {  	_ = 	snop;
	(pc) =	sbr.rel @p3 .LBB2_31-.Ltmp20, $4  }
0x209: {  	v11 =	vadd.s32 v11, v63  }
0x20a: {  	vm1 =	vgt.s32 v11, $0xC7;
	v11 =	vadd.s32 $0xFFFFFFFF, v10  }
0x20b: {  	v8 =	vsel vm1, v10, v8;
	v9 =	vsel vm1, v9, v11  }
0x20c: {  	_ = 	snop  }
.LBB2_24:
.Ltmp21:
0x20d: {  	(pc) =	sbr.rel .LBB2_30-.Ltmp21, $2  }
0x20e: {  	_ =	sdelay $0x2  }
0x20f: {  	s7 =	simm.s32 $0x0;
	v13 =	vimm.s32 $0x0  }
.LBB2_26:
.Ltmp22:
0x210: {  	(pc) =	sbr.rel .LBB2_30-.Ltmp22, $2  }
0x211: {  	_ =	sdelay $0x2  }
0x212: {  	s7 =	simm.s32 $0x0;
	v13 =	vimm.s32 $0x0  }
.LBB2_28:
.Ltmp23:
0x213: {  	(pc) =	sbr.rel .LBB2_30-.Ltmp23, $2  }
0x214: {  	_ =	sdelay $0x2  }
0x215: {  	s7 =	simm.s32 $0x0  }
.LBB2_34:
0x216: {  	v9 =	vimm.s32 $0xFFFFFF38  }
.LBB2_41:
0x217: {  	p2 =	seq.s32 s26, $0x0  }
.Ltmp24:
0x218: {  	_ = 	snop;
	(pc) =	sbr.rel @p2 .LBB2_47-.Ltmp24, $3  }
0x219: {  	_ =	sdelay $0x1  }
0x21a: {  	s0 =	sshll.u32 s26, $0x8  }
0x21b: {  	_ =	strace $0x9000004E;
	s1 =	sand.u32 $0x100, s0  }
0x21c: {  	_ =	strace $0x8000004F;
	s0 =	sadd.s32 $0x0, s29  }
0x21d: {  	_ =	swait.ge [sflag:s13], $0x4000;
	v10 =	vmov s0  }
0x21e: {  	[sflag:s13] =	ssyncset.done $0x0  }
0x21f: {  	[sflag:s13] =	ssyncadd.s32 $0xFFFFC000  }
0x220: {  	_ =	strace $0x9000004F  }
0x221: {  	_ =	strace $0x80000050  }
0x222: {  	s21 =	simm.s32 $0x1BDC0;
	v15 =	vld.idx.msk [tilespmem:v10+s17+$0x0], $0xffff  }
0x223: {  	v10 =	vld [tilespmem:s21+$0x30]  }
0x224: {  	v11 =	vld [tilespmem:s21+$0xFFFFFFC0]  }
0x225: {  	v12 =	vld [tilespmem:s21+$0xFFFFFFD0]  }
0x226: {  	v13 =	vld [tilespmem:s21+$0xFFFFFFE0]  }
0x227: {  	v17 =	vld [tilespmem:s21+$0xFFFFFFF0]  }
0x228: {  	s7 =	sadd.s32 $0x1, s29;
	v18 =	vld [tilespmem:s21+$0x0]  }
0x229: {  	v14 =	vmov s7;
	v19 =	vld [tilespmem:s21+$0x10];
	_ =	sdelay $0x1  }
0x22a: {  	v10 =	vmul.f32 v10, v15  }
0x22b: {  	s0 =	simm.s32 $0x1BE40;
	v20 =	vld [tilespmem:s21+$0x20];
	v21 =	vmul.f32 v11, v15;
	v12 =	vmul.f32 v12, v15  }
0x22c: {  	v16 =	vimm.f32 $0.0e+00;
	v22 =	vld [tilespmem:s0+$0x30];
	v13 =	vmul.f32 v13, v15;
	v23 =	vmul.f32 v17, v15  }
0x22d: {  	v11 =	vld.idx.msk [tilespmem:v14+s17+$0x0], $0xffff;
	v24 =	vmul.f32 v18, v15;
	v25 =	vmul.f32 v19, v15;
	v10 =	vadd.f32 v10, v16  }
0x22e: {  	v19 =	vimm.f32 $0.0e+00;
	v17 =	vadd.f32 v21, v16;
	v14 =	vadd.f32 v12, v16;
	v21 =	vld [tilespmem:s0+$0xFFFFFFC0]  }
0x22f: {  	s7 =	sadd.s32 $0x2, s29;
	s21 =	simm.s32 $0x3;
	v18 =	vimm.f32 $0.0e+00;
	v12 =	vadd.f32 v13, v16;
	v13 =	vadd.f32 v23, v16;
	v23 =	vld [tilespmem:s0+$0xFFFFFFD0]  }
.LBB2_43:
0x230: {  	p2 =	sne.s32 s21, $0x7F;
	v26 =	vmov s7;
	v27 =	vld [tilespmem:s0+$0xFFFFFFE0];
	v16 =	vadd.f32 v24, v16;
	v20 =	vmul.f32 v20, v15  }
0x231: {  	v24 =	vld [tilespmem:s0+$0xFFFFFFF0];
	v19 =	vadd.f32 v25, v19  }
0x232: {  	v15 =	vmov v11;
	v25 =	vld [tilespmem:s0+$0x0];
	v22 =	vmul.f32 v22, v11;
	v18 =	vadd.f32 v20, v18  }
0x233: {  	v21 =	vmul.f32 v21, v15;
	v28 =	vld [tilespmem:s0+$0x10]  }
.Ltmp25:
0x234: {  	v23 =	vmul.f32 v23, v15;
	v20 =	vld [tilespmem:s0+$0x20];
	v10 =	vadd.f32 v22, v10;
	(pc) =	sbr.rel @p2 .LBB2_43-.Ltmp25, $4  }
0x235: {  	s0 =	sadd.s32 $0x80, s0;
	v11 =	vld.idx.msk [tilespmem:v26+s17+$0x0], $0xffff;
	v17 =	vadd.f32 v21, v17;
	v26 =	vmul.f32 v27, v15  }
0x236: {  	v22 =	vld [tilespmem:s0+$0x30];
	v14 =	vadd.f32 v23, v14;
	v27 =	vmul.f32 v24, v15  }
0x237: {  	v21 =	vld [tilespmem:s0+$0xFFFFFFC0];
	v12 =	vadd.f32 v26, v12;
	v24 =	vmul.f32 v25, v15  }
0x238: {  	s7 =	sadd.s32 s21, s29;
	s21 =	sadd.s32 $0x1, s21;
	v23 =	vld [tilespmem:s0+$0xFFFFFFD0];
	v13 =	vadd.f32 v27, v13;
	v25 =	vmul.f32 v28, v15  }
0x239: {  	v27 =	vld [tilespmem:s0+$0xFFFFFFE0]  }
0x23a: {  	v28 =	vld [tilespmem:s0+$0xFFFFFFF0]  }
0x23b: {  	v29 =	vld [tilespmem:s0+$0x0]  }
0x23c: {  	v30 =	vld [tilespmem:s0+$0x10]  }
0x23d: {  	v26 =	vmov s7;
	v31 =	vld [tilespmem:s0+$0x20];
	s7 =	sadd.s32 $0x80, s0  }
0x23e: {  	v32 =	vld [tilespmem:s7+$0x30]  }
0x23f: {  	v33 =	vld [tilespmem:s7+$0xFFFFFFC0]  }
0x240: {  	v34 =	vld [tilespmem:s7+$0xFFFFFFD0]  }
0x241: {  	v35 =	vld [tilespmem:s7+$0xFFFFFFE0]  }
0x242: {  	v36 =	vld [tilespmem:s7+$0xFFFFFFF0]  }
0x243: {  	v37 =	vld [tilespmem:s7+$0x0]  }
0x244: {  	v38 =	vld [tilespmem:s7+$0x10]  }
0x245: {  	v39 =	vld [tilespmem:s7+$0x20]  }
0x246: {  	v26 =	vld.idx.msk [tilespmem:v26+s17+$0x0], $0xffff;
	_ =	strace $0x90000050  }
0x247: {  	s9 =	ssub.s32 $0x1BD00, s1;
	s10 =	sadd.s32 $0x0, s28;
	_ =	strace $0x80000051  }
0x248: {  	[tilespmem:s19], [sflag:$0x2] =	stream.indirect.gather [hbm4b:s2+s20], $0x80, s9, s20, $0x2000b8;
	[tilespmem:$0x1FE00] =	vst v63  }
0x249: {  	v40 =	vmov s10;
	_ =	swait.ge [sflag:s22], $0x2400  }
0x24a: {  	v15 =	vmul.f32 v20, v15;
	v20 =	vmul.f32 v22, v11;
	[sflag:s22] =	ssyncset.done $0x0  }
0x24b: {  	v16 =	vadd.f32 v24, v16;
	v19 =	vadd.f32 v25, v19;
	v21 =	vmul.f32 v21, v11;
	[sflag:s22] =	ssyncadd.s32 $0xFFFFDC00  }
0x24c: {  	s29 =	sadd.s32 $0x1, s28;
	v15 =	vadd.f32 v15, v18;
	v18 =	vadd.f32 v20, v10;
	v10 =	vmul.f32 v23, v11;
	_ =	strace $0x90000051  }
0x24d: {  	v25 =	vmov s29;
	v17 =	vadd.f32 v21, v17;
	v20 =	vmul.f32 v27, v11;
	_ =	strace $0x80000052  }
0x24e: {  	s21 =	simm.s32 $0x1BDC0;
	v21 =	vmul.f32 v28, v11;
	v22 =	vmul.f32 v29, v11;
	v14 =	vadd.f32 v10, v14;
	v10 =	vld.idx.msk [tilespmem:v40+s17+$0x0], $0xffff  }
0x24f: {  	v23 =	vmul.f32 v30, v11;
	v11 =	vmul.f32 v31, v11;
	v12 =	vadd.f32 v20, v12;
	v20 =	vld [tilespmem:s21+$0x30]  }
0x250: {  	v13 =	vadd.f32 v21, v13;
	v16 =	vadd.f32 v22, v16;
	v21 =	vmul.f32 v32, v26;
	v22 =	vld [tilespmem:s21+$0xFFFFFFC0]  }
0x251: {  	v19 =	vadd.f32 v23, v19;
	v11 =	vadd.f32 v11, v15;
	v15 =	vmul.f32 v33, v26;
	v24 =	vld [tilespmem:s21+$0xFFFFFFD0]  }
0x252: {  	v23 =	vmul.f32 v34, v26;
	v18 =	vadd.f32 v21, v18;
	v21 =	vmul.f32 v35, v26;
	v27 =	vld [tilespmem:s21+$0xFFFFFFE0]  }
0x253: {  	v59 =	vmul.f32 v37, v26;
	v17 =	vadd.f32 v15, v17;
	v15 =	vmul.f32 v36, v26;
	v60 =	vld [tilespmem:s21+$0xFFFFFFF0]  }
0x254: {  	v23 =	vadd.f32 v23, v14;
	v14 =	vmul.f32 v38, v26;
	v62 =	vld [tilespmem:s21+$0x0];
	v61 =	vadd.f32 v21, v12  }
0x255: {  	v63 =	vadd.f32 v15, v13;
	v12 =	vadd.f32 v59, v16;
	v15 =	vmul.f32 v39, v26;
	v26 =	vld [tilespmem:s21+$0x10]  }
0x256: {  	s0 =	simm.s32 $0x1BE40;
	v13 =	vadd.f32 v14, v19;
	v16 =	vmul.f32 v20, v10;
	v19 =	vmul.f32 v22, v10;
	v20 =	vld [tilespmem:s21+$0x20]  }
0x257: {  	v21 =	vld [tilespmem:s0+$0x30];
	v14 =	vadd.f32 v15, v11;
	v22 =	vmul.f32 v24, v10;
	v24 =	vmul.f32 v27, v10  }
0x258: {  	v11 =	vld.idx.msk [tilespmem:v25+s17+$0x0], $0xffff;
	v15 =	vadd.f32 v16, v18;
	v16 =	vadd.f32 v19, v17;
	v19 =	vmul.f32 v60, v10  }
0x259: {  	v17 =	vadd.f32 v22, v23;
	v22 =	vld [tilespmem:s0+$0xFFFFFFC0];
	v18 =	vadd.f32 v24, v61;
	v24 =	vmul.f32 v62, v10  }
0x25a: {  	s7 =	sadd.s32 $0x2, s28;
	s21 =	simm.s32 $0x3;
	v25 =	vmul.f32 v26, v10;
	v23 =	vld [tilespmem:s0+$0xFFFFFFD0];
	v19 =	vadd.f32 v19, v63  }
.LBB2_45:
0x25b: {  	p2 =	sne.s32 s21, $0x47;
	v26 =	vmov s7;
	v27 =	vld [tilespmem:s0+$0xFFFFFFE0];
	v12 =	vadd.f32 v24, v12;
	v20 =	vmul.f32 v20, v10  }
0x25c: {  	v24 =	vld [tilespmem:s0+$0xFFFFFFF0];
	v13 =	vadd.f32 v25, v13  }
0x25d: {  	v10 =	vmov v11;
	v25 =	vld [tilespmem:s0+$0x0];
	v21 =	vmul.f32 v21, v11;
	v14 =	vadd.f32 v20, v14  }
0x25e: {  	v22 =	vmul.f32 v22, v10;
	v28 =	vld [tilespmem:s0+$0x10]  }
.Ltmp26:
0x25f: {  	v23 =	vmul.f32 v23, v10;
	v20 =	vld [tilespmem:s0+$0x20];
	v15 =	vadd.f32 v21, v15;
	(pc) =	sbr.rel @p2 .LBB2_45-.Ltmp26, $4  }
0x260: {  	s0 =	sadd.s32 $0x80, s0;
	v11 =	vld.idx.msk [tilespmem:v26+s17+$0x0], $0xffff;
	v16 =	vadd.f32 v22, v16;
	v26 =	vmul.f32 v27, v10  }
0x261: {  	v21 =	vld [tilespmem:s0+$0x30];
	v17 =	vadd.f32 v23, v17;
	v27 =	vmul.f32 v24, v10  }
0x262: {  	v22 =	vld [tilespmem:s0+$0xFFFFFFC0];
	v18 =	vadd.f32 v26, v18;
	v24 =	vmul.f32 v25, v10  }
0x263: {  	s7 =	sadd.s32 s21, s28;
	s21 =	sadd.s32 $0x1, s21;
	v23 =	vld [tilespmem:s0+$0xFFFFFFD0];
	v19 =	vadd.f32 v27, v19;
	v25 =	vmul.f32 v28, v10  }
0x264: {  	v27 =	vld [tilespmem:s0+$0xFFFFFFE0]  }
0x265: {  	v26 =	vmov s7;
	v28 =	vld [tilespmem:s0+$0xFFFFFFF0]  }
0x266: {  	v29 =	vld [tilespmem:s0+$0x0]  }
0x267: {  	v30 =	vld [tilespmem:s0+$0x10]  }
0x268: {  	v31 =	vld [tilespmem:s0+$0x20];
	s28 =	sadd.s32 $0x80, s0  }
0x269: {  	v41 =	vld [tilespmem:s28+$0xFFFFFFC0]  }
0x26a: {  	v12 =	vadd.f32 v24, v12;
	v10 =	vmul.f32 v20, v10;
	v26 =	vld.idx.msk [tilespmem:v26+s17+$0x0], $0xffff  }
0x26b: {  	v13 =	vadd.f32 v25, v13;
	v42 =	vld [tilespmem:s28+$0xFFFFFFD0];
	v21 =	vmul.f32 v21, v11;
	v22 =	vmul.f32 v22, v11  }
0x26c: {  	v45 =	vld [tilespmem:s28+$0xFFFFFFE0];
	v10 =	vadd.f32 v10, v14;
	v43 =	vmul.f32 v23, v11;
	v44 =	vmul.f32 v27, v11  }
0x26d: {  	v47 =	vld [tilespmem:s28+$0xFFFFFFF0];
	v15 =	vadd.f32 v21, v15;
	v46 =	vmul.f32 v28, v11;
	v49 =	vmul.f32 v29, v11  }
0x26e: {  	v50 =	vld [tilespmem:s28+$0x0];
	v16 =	vadd.f32 v22, v16;
	v51 =	vmul.f32 v30, v11;
	v11 =	vmul.f32 v31, v11  }
0x26f: {  	v52 =	vld [tilespmem:s28+$0x10];
	v14 =	vadd.f32 v43, v17;
	v48 =	vadd.f32 v44, v18;
	v20 =	vmul.f32 v41, v26  }
0x270: {  	v54 =	vld [tilespmem:s28+$0x20];
	v19 =	vadd.f32 v46, v19;
	v12 =	vadd.f32 v49, v12;
	v53 =	vmul.f32 v42, v26  }
0x271: {  	v55 =	vld [tilespmem:s28+$0x30];
	v13 =	vadd.f32 v51, v13;
	v56 =	vmul.f32 v45, v26;
	v16 =	vadd.f32 v20, v16  }
0x272: {  	v10 =	vadd.f32 v11, v10;
	v57 =	vmul.f32 v47, v26;
	v11 =	vadd.f32 v53, v14  }
0x273: {  	v58 =	vmul.f32 v50, v26;
	v17 =	vadd.f32 v56, v48;
	v16 =	vmul.f32 $4.999999890e-03, v16  }
0x274: {  	_ =	strace $0x90000052;
	v59 =	vmul.f32 v52, v26;
	v14 =	vadd.f32 v57, v19;
	v11 =	vmul.f32 $4.999999890e-03, v11  }
0x275: {  	_ =	strace $0x80000053;
	v60 =	vmul.f32 v54, v26;
	v12 =	vadd.f32 v58, v12;
	v61 =	vmul.f32 $4.999999890e-03, v17;
	[tilespmem:$0x1FD80] =	vst v16  }
0x276: {  	v62 =	vmul.f32 v55, v26;
	v13 =	vadd.f32 v59, v13;
	[tilespmem:$0x1FD90] =	vst v11;
	v11 =	vmul.f32 $4.999999890e-03, v14  }
0x277: {  	v10 =	vadd.f32 v60, v10;
	v12 =	vmul.f32 $4.999999890e-03, v12;
	[tilespmem:$0x1FDA0] =	vst v61  }
0x278: {  	v63 =	vadd.f32 v62, v15;
	[tilespmem:$0x1FDB0] =	vst v11;
	v11 =	vmul.f32 $4.999999890e-03, v13  }
0x279: {  	s29 =	sshll.u32 s30, $0x7;
	v10 =	vmul.f32 $4.999999890e-03, v10;
	[tilespmem:$0x1FDC0] =	vst v12  }
0x27a: {  	s0 =	sadd.s32 $0xFFFFFF80, s29;
	[tilespmem:$0x1FDD0] =	vst v11;
	v11 =	vmul.f32 $4.999999890e-03, v63  }
0x27b: {  	s0 =	sshrl.u32 s0, $0x3;
	[tilespmem:$0x1FDE0] =	vst v10  }
0x27c: {  	s0 =	sadd.s32 s3, s0;
	[tilespmem:$0x1FDF0] =	vst v11  }
0x27d: {  	[hbm4b:s0+s4] =	stream.linear.scatter [tilespmem:s23], [sflag:$0x4], $0x80, $0x200038;
	[tilespmem:$0x1FE00] =	vst v63  }
0x27e: {  	_ =	swait.ge [sflag:s24], $0x80  }
0x27f: {  	[sflag:s24] =	ssyncset.done $0x0  }
0x280: {  	[sflag:s24] =	ssyncadd.s32 $0xFFFFFF80  }
0x281: {  	_ =	strace $0x90000053  }
.LBB2_47:
.Ltmp27:
0x282: {  	(pc) =	sbr.rel @p1 .LBB2_50-.Ltmp27, $2  }
0x283: {  	_ =	sdelay $0x2  }
0x284: {  	_ =	strace $0x80000054  }
0x285: {  	v10 =	vmov s1  }
0x286: {  	v10 =	vadd.s32 $0xFFFFFFFF, v10  }
0x287: {  	v11 =	vimm.s32 $0x0;
	s0 =	simm.s32 $0x1A700;
	s7 =	simm.s32 $0x0;
	v12 =	vimm.s32 $0x0;
	v10 =	vbroadcast v10, $0x0  }
.LBB2_49:
0x288: {  	v13 =	vld [tilespmem:s0+$0x0];
	_ =	sdelay $0x7  }
0x289: {  	v14 =	vld.idx.msk [tilespmem:v13+s4+$0x0], $0xffff;
	_ =	sdelay $0x3  }
0x28a: {  	v15 =	vor.u32 s7, v0  }
0x28b: {  	vm1 =	vlt.s32 v15, v7;
	vm2 =	veq.s32 v8, v14  }
0x28c: {  	vm2 =	vmand vm1, vm2  }
0x28d: {  	v15 =	vsel vm2, $0x1, v2  }
0x28e: {  	(xrf0) =	vadd.scan.msk.s32 $0xffff, v15;
	_ =	sdelay $0x5  }
0x28f: {  	v15, _, _ =	vpop (xrf0)  }
0x290: {  	v15 =	vadd.s32 v11, v15  }
0x291: {  	vm3 =	vlt.s32 v8, v14;
	vm4 =	vgt.s32 v15, v9  }
0x292: {  	vm1 =	vmand vm1, vm3;
	vm3 =	vmand vm2, vm4  }
0x293: {  	vm1 =	vmor vm1, vm3  }
0x294: {  	v15 =	vsel vm1, $0x1, v2  }
0x295: {  	(xrf0) =	vadd.scan.msk.s32 $0xffff, v15;
	_ =	sdelay $0x5  }
0x296: {  	v16 =	vadd.s32 v12, v10;
	v15, _, _ =	vpop (xrf0)  }
0x297: {  	v15 =	vadd.s32 v15, v16  }
0x298: {  	p1 =	sne.s32 s31, $0x1  }
.Ltmp28:
0x299: {  	_ = 	snop;
	(pc) =	sbr.rel @p1 .LBB2_49-.Ltmp28, $4  }
0x29a: {  	_ = 	snop  }
0x29b: {  	v17 =	vmpcnt.ones.xlane vm2;
	v63 =	vmpcnt.ones.xlane vm1  }
0x29c: {  	[tilespmem:v15+s17+$0x0] =	vst.idx.msk vm1, v14  }
0x29d: {  	s0 =	sadd.s32 $0x10, s0;
	s7 =	sadd.s32 $0x10, s7;
	s31 =	sadd.s32 $0xFFFFFFFF, s31;
	v11 =	vadd.s32 v11, v17;
	v12 =	vadd.s32 v12, v63;
	[tilespmem:v15+s18+$0x0] =	vst.idx.msk vm1, v13  }
.Ltmp29:
0x29e: {  	_ = 	snop;
	(pc) =	sbr.rel .LBB2_50-.Ltmp29, $1  }
0x29f: {  	_ =	sdelay $0x3  }
.LBB2_31:
.Ltmp30:
0x2a0: {  	(pc) =	sbr.rel @!p2 .LBB2_32-.Ltmp30, $3  }
0x2a1: {  	_ =	sdelay $0x1  }
0x2a2: {  	s7 =	simm.s32 $0x1A700  }
0x2a3: {  	v9 =	vimm.s32 $0x0;
	s1 =	simm.s32 $0x0;
	p3 =	por $0x0, $0x0;
	p4 =	por $0x0, $0x0;
	v10 =	vld [tilespmem:s7+$0x0]  }
0x2a4: {  	_ =	sdelay $0x3  }
0x2a5: {  	p2 =	sne.s32 s0, $0x1  }
.Ltmp31:
0x2a6: {  	_ = 	snop;
	(pc) =	sbr.rel @!p2 .LBB2_36-.Ltmp31, $3  }
0x2a7: {  	_ =	sdelay $0x1  }
0x2a8: {  	s7 =	simm.s32 $0x1A710;
	v12 =	vld.idx.msk [tilespmem:v10+s4+$0x0], $0xffff  }
0x2a9: {  	s0 =	sadd.s32 $0xFFFFFFFF, s0;
	p3 =	por $0x1, $0x1;
	v10 =	vld [tilespmem:s7+$0x0]  }
0x2aa: {  	_ =	sdelay $0x3  }
0x2ab: {  	v11 =	vor.u32 s1, v0;
	p2 =	sne.s32 s0, $0x1  }
.Ltmp32:
0x2ac: {  	vm2 =	vlt.s32 v11, v7;
	vm1 =	vle.s32 v8, v12;
	(pc) =	sbr.rel @!p2 .LBB2_38-.Ltmp32, $4  }
0x2ad: {  	vm1 =	vmand vm2, vm1  }
0x2ae: {  	v11 =	vmpcnt.ones.xlane vm1  }
0x2af: {  	s7 =	simm.s32 $0x1A720;
	v12 =	vld.idx.msk [tilespmem:v10+s4+$0x0], $0xffff  }
0x2b0: {  	s9 =	sadd.s32 $0xFFFFFFFF, s0;
	p4 =	por $0x1, $0x1;
	s0 =	simm.s32 $0x0;
	v10 =	vld [tilespmem:s7+$0x0];
	v11 =	vadd.s32 v9, v11  }
.LBB2_39:
0x2b1: {  	p2 =	sne.s32 s9, $0x1;
	_ =	sdelay $0x1  }
0x2b2: {  	s0 =	sadd.s32 $0x10, s0  }
0x2b3: {  	v13 =	vor.u32 s0, v0  }
.Ltmp33:
0x2b4: {  	vm2 =	vlt.s32 v13, v7;
	vm1 =	vle.s32 v8, v12;
	(pc) =	sbr.rel @p2 .LBB2_39-.Ltmp33, $4  }
0x2b5: {  	vm1 =	vmand vm2, vm1  }
0x2b6: {  	v13 =	vmpcnt.ones.xlane vm1  }
0x2b7: {  	s7 =	sadd.s32 $0x10, s7;
	v12 =	vld.idx.msk [tilespmem:v10+s4+$0x0], $0xffff  }
0x2b8: {  	s9 =	sadd.s32 $0xFFFFFFFF, s9;
	v11 =	vadd.s32 v11, v13;
	v10 =	vld [tilespmem:s7+$0x0]  }
.LBB2_40:
0x2b9: {  	_ =	sdelay $0x7  }
0x2ba: {  	s0 =	sadd.s32 @p4 $0x10, s0;
	s7 =	simm.s32 $0x0;
	v10 =	vld.idx.msk [tilespmem:v10+s4+$0x0], $0xffff  }
0x2bb: {  	s7 =	smov.u32 @p4 s0  }
0x2bc: {  	v13 =	vor.u32 @p3 s7, v0;
	s0 =	sadd.s32 @p3 $0x10, s7  }
0x2bd: {  	vm1 =	vle.s32 @p3 v8, v12;
	vm2 =	vlt.s32 @p3 v13, v7;
	s1 =	smov.u32 @p3 s0  }
0x2be: {  	vm1 =	vmand @p3 vm2, vm1;
	v63 =	vor.u32 s1, v0  }
0x2bf: {  	v13 =	vmpcnt.ones.xlane @p3 vm1;
	vm2 =	vlt.s32 v63, v7;
	vm1 =	vle.s32 v8, v10  }
.Ltmp34:
0x2c0: {  	vm1 =	vmand vm2, vm1;
	(pc) =	sbr.rel .LBB2_41-.Ltmp34, $4  }
0x2c1: {  	v10 =	vadd.s32 @p3 v11, v13;
	v11 =	vmpcnt.ones.xlane vm1  }
0x2c2: {  	v9 =	vpsel p3, v10, v9  }
0x2c3: {  	v9 =	vadd.s32 v9, v11  }
0x2c4: {  	v9 =	vadd.s32 $0xFFFFFF38, v9  }
.LBB2_16:
.Ltmp35:
0x2c5: {  	(pc) =	sbr.rel .LBB2_19-.Ltmp35, $2  }
0x2c6: {  	_ =	sdelay $0x2  }
0x2c7: {  	_ = 	snop  }
.LBB2_32:
.Ltmp36:
0x2c8: {  	(pc) =	sbr.rel .LBB2_40-.Ltmp36, $2  }
0x2c9: {  	_ =	sdelay $0x2  }
0x2ca: {  	s0 =	simm.s32 $0x0;
	v11 =	vimm.s32 $0x0  }
.LBB2_36:
.Ltmp37:
0x2cb: {  	(pc) =	sbr.rel .LBB2_40-.Ltmp37, $2  }
0x2cc: {  	_ =	sdelay $0x2  }
0x2cd: {  	s0 =	simm.s32 $0x0;
	v11 =	vimm.s32 $0x0  }
.LBB2_38:
.Ltmp38:
0x2ce: {  	(pc) =	sbr.rel .LBB2_40-.Ltmp38, $2  }
0x2cf: {  	_ =	sdelay $0x2  }
0x2d0: {  	s0 =	simm.s32 $0x0  }
.LBB2_51:
0x2d1: {  	_ =	strace $0x80000055;
	s0 =	simm.s32 $0x100  }
0x2d2: {  	_ =	swait.ge [sflag:s13], $0x4000;
	v7 =	vmov s0  }
0x2d3: {  	[sflag:s13] =	ssyncset.done $0x0  }
0x2d4: {  	[sflag:s13] =	ssyncadd.s32 $0xFFFFC000  }
0x2d5: {  	_ =	strace $0x90000055  }
0x2d6: {  	_ =	strace $0x80000056  }
0x2d7: {  	s30 =	simm.s32 $0x1BDC0;
	v15 =	vld.idx.msk [tilespmem:v7+s17+$0x0], $0xffff  }
0x2d8: {  	v7 =	vld [tilespmem:s30+$0x30]  }
0x2d9: {  	v8 =	vld [tilespmem:s30+$0xFFFFFFC0]  }
0x2da: {  	v9 =	vld [tilespmem:s30+$0xFFFFFFD0]  }
0x2db: {  	s1 =	simm.s32 $0x101;
	v12 =	vld [tilespmem:s30+$0xFFFFFFE0]  }
0x2dc: {  	v11 =	vmov s1;
	v13 =	vld [tilespmem:s30+$0xFFFFFFF0]  }
0x2dd: {  	v14 =	vld [tilespmem:s30+$0x0]  }
0x2de: {  	v19 =	vld [tilespmem:s30+$0x10]  }
0x2df: {  	v21 =	vld [tilespmem:s30+$0x20]  }
0x2e0: {  	v10 =	vimm.f32 $0.0e+00;
	s31 =	simm.s32 $0x102;
	v16 =	vmul.f32 v7, v15  }
0x2e1: {  	s0 =	simm.s32 $0x1BE40;
	v22 =	vmov s31;
	v8 =	vmul.f32 v8, v15;
	v9 =	vmul.f32 v9, v15;
	v7 =	vld.idx.msk [tilespmem:v11+s17+$0x0], $0xffff  }
0x2e2: {  	v18 =	vmul.f32 v12, v15;
	v14 =	vmul.f32 v14, v15;
	v11 =	vadd.f32 v16, v10;
	v16 =	vld [tilespmem:s0+$0x30]  }
0x2e3: {  	v17 =	vld [tilespmem:s0+$0xFFFFFFC0];
	v20 =	vmul.f32 v19, v15;
	v12 =	vadd.f32 v8, v10;
	v8 =	vmul.f32 v13, v15  }
0x2e4: {  	v21 =	vmul.f32 v21, v15;
	v13 =	vadd.f32 v9, v10;
	v9 =	vadd.f32 v18, v10;
	v18 =	vld [tilespmem:s0+$0xFFFFFFD0]  }
0x2e5: {  	s1 =	simm.s32 $0x103;
	v19 =	vld [tilespmem:s0+$0xFFFFFFE0];
	v14 =	vadd.f32 v14, v10;
	v15 =	vimm.f32 $0.0e+00;
	v8 =	vadd.f32 v8, v10  }
.LBB2_52:
0x2e6: {  	p0 =	sne.s32 s1, $0x17F;
	v23 =	vld [tilespmem:s0+$0xFFFFFFF0];
	v10 =	vadd.f32 v20, v10  }
0x2e7: {  	v20 =	vld [tilespmem:s0+$0x0];
	v16 =	vmul.f32 v16, v7;
	v15 =	vadd.f32 v21, v15;
	v21 =	vmov v7  }
0x2e8: {  	v17 =	vmul.f32 v17, v21;
	v24 =	vld [tilespmem:s0+$0x10]  }
0x2e9: {  	v18 =	vmul.f32 v18, v21;
	v25 =	vld [tilespmem:s0+$0x20];
	v11 =	vadd.f32 v16, v11  }
.Ltmp39:
0x2ea: {  	s0 =	sadd.s32 $0x80, s0;
	v7 =	vld.idx.msk [tilespmem:v22+s17+$0x0], $0xffff;
	v12 =	vadd.f32 v17, v12;
	v19 =	vmul.f32 v19, v21;
	(pc) =	sbr.rel @p0 .LBB2_52-.Ltmp39, $4  }
0x2eb: {  	v16 =	vld [tilespmem:s0+$0x30];
	v13 =	vadd.f32 v18, v13;
	v22 =	vmul.f32 v23, v21  }
0x2ec: {  	v17 =	vld [tilespmem:s0+$0xFFFFFFC0];
	v9 =	vadd.f32 v19, v9;
	v23 =	vmul.f32 v20, v21  }
0x2ed: {  	v18 =	vld [tilespmem:s0+$0xFFFFFFD0];
	v8 =	vadd.f32 v22, v8;
	v20 =	vmul.f32 v24, v21  }
0x2ee: {  	v22 =	vmov s1;
	s1 =	sadd.s32 $0x1, s1;
	v19 =	vld [tilespmem:s0+$0xFFFFFFE0];
	v14 =	vadd.f32 v23, v14;
	v21 =	vmul.f32 v25, v21  }
0x2ef: {  	v23 =	vld [tilespmem:s0+$0xFFFFFFF0]  }
0x2f0: {  	v24 =	vld [tilespmem:s0+$0x0]  }
0x2f1: {  	v25 =	vld [tilespmem:s0+$0x10]  }
0x2f2: {  	v26 =	vld [tilespmem:s0+$0x20]  }
0x2f3: {  	v22 =	vld.idx.msk [tilespmem:v22+s17+$0x0], $0xffff;
	s26 =	sadd.s32 $0x80, s0  }
0x2f4: {  	v27 =	vld [tilespmem:s26+$0x30]  }
0x2f5: {  	v28 =	vld [tilespmem:s26+$0xFFFFFFC0]  }
0x2f6: {  	v29 =	vld [tilespmem:s26+$0xFFFFFFD0]  }
0x2f7: {  	v30 =	vld [tilespmem:s26+$0xFFFFFFE0]  }
0x2f8: {  	v31 =	vld [tilespmem:s26+$0xFFFFFFF0]  }
0x2f9: {  	v32 =	vld [tilespmem:s26+$0x0]  }
0x2fa: {  	v33 =	vld [tilespmem:s26+$0x10]  }
0x2fb: {  	v34 =	vld [tilespmem:s26+$0x20];
	_ =	strace $0x90000056  }
0x2fc: {  	s28 =	simm.s32 $0x1BD00;
	s29 =	simm.s32 $0x180;
	_ =	strace $0x80000057  }
0x2fd: {  	[tilespmem:s19], [sflag:$0x2] =	stream.indirect.gather [hbm4b:s2+s20], $0x80, s28, s20, $0x2000b8;
	[tilespmem:$0x1FE00] =	vst v63  }
0x2fe: {  	v35 =	vmov s29;
	_ =	swait.ge [sflag:s22], $0x2400  }
0x2ff: {  	[sflag:s22] =	ssyncset.done $0x0  }
0x300: {  	v16 =	vmul.f32 v16, v7;
	v17 =	vmul.f32 v17, v7;
	[sflag:s22] =	ssyncadd.s32 $0xFFFFDC00  }
0x301: {  	v10 =	vadd.f32 v20, v10;
	v18 =	vmul.f32 v18, v7;
	_ =	strace $0x90000057  }
0x302: {  	v11 =	vadd.f32 v16, v11;
	v12 =	vadd.f32 v17, v12;
	v16 =	vmul.f32 v19, v7;
	_ =	strace $0x80000058  }
0x303: {  	s30 =	simm.s32 $0x1BDC0;
	v13 =	vadd.f32 v18, v13;
	v17 =	vmul.f32 v23, v7;
	v18 =	vmul.f32 v24, v7;
	v23 =	vld.idx.msk [tilespmem:v35+s17+$0x0], $0xffff  }
0x304: {  	v15 =	vadd.f32 v21, v15;
	v9 =	vadd.f32 v16, v9;
	v16 =	vmul.f32 v25, v7;
	v19 =	vld [tilespmem:s30+$0x30]  }
0x305: {  	v7 =	vmul.f32 v26, v7;
	v20 =	vmul.f32 v29, v22;
	v14 =	vadd.f32 v18, v14;
	v18 =	vld [tilespmem:s30+$0xFFFFFFC0]  }
0x306: {  	v8 =	vadd.f32 v17, v8;
	v17 =	vmul.f32 v27, v22;
	v10 =	vadd.f32 v16, v10;
	v16 =	vld [tilespmem:s30+$0xFFFFFFD0]  }
0x307: {  	s1 =	simm.s32 $0x181;
	v57 =	vmul.f32 v31, v22;
	v7 =	vadd.f32 v7, v15;
	v15 =	vmul.f32 v28, v22;
	v21 =	vld [tilespmem:s30+$0xFFFFFFE0]  }
0x308: {  	v13 =	vadd.f32 v20, v13;
	v11 =	vadd.f32 v17, v11;
	v17 =	vmov s1;
	v58 =	vld [tilespmem:s30+$0xFFFFFFF0]  }
0x309: {  	v20 =	vmul.f32 v32, v22;
	v60 =	vld [tilespmem:s30+$0x0];
	v12 =	vadd.f32 v15, v12;
	v15 =	vmul.f32 v30, v22  }
0x30a: {  	v59 =	vmul.f32 v33, v22;
	v24 =	vadd.f32 v57, v8;
	v8 =	vmul.f32 v34, v22;
	v22 =	vld [tilespmem:s30+$0x10]  }
0x30b: {  	v62 =	vld [tilespmem:s30+$0x20];
	v61 =	vadd.f32 v20, v14;
	v15 =	vadd.f32 v15, v9  }
0x30c: {  	v9 =	vadd.f32 v59, v10;
	v10 =	vmul.f32 v19, v23;
	v14 =	vmul.f32 v18, v23  }
0x30d: {  	s0 =	simm.s32 $0x1BE40;
	v8 =	vadd.f32 v8, v7;
	v18 =	vmul.f32 v16, v23;
	v7 =	vld.idx.msk [tilespmem:v17+s17+$0x0], $0xffff;
	v19 =	vmul.f32 v21, v23  }
0x30e: {  	v16 =	vld [tilespmem:s0+$0x30];
	v20 =	vmul.f32 v58, v23;
	v63 =	vmul.f32 v60, v23  }
0x30f: {  	v17 =	vld [tilespmem:s0+$0xFFFFFFC0];
	v21 =	vmul.f32 v22, v23;
	v10 =	vadd.f32 v10, v11;
	v12 =	vadd.f32 v14, v12  }
0x310: {  	s31 =	simm.s32 $0x182;
	v22 =	vmul.f32 v62, v23;
	v11 =	vadd.f32 v18, v13;
	v14 =	vadd.f32 v19, v15;
	v18 =	vld [tilespmem:s0+$0xFFFFFFD0]  }
0x311: {  	s1 =	simm.s32 $0x183;
	v13 =	vadd.f32 v20, v24;
	v20 =	vmov s31;
	v19 =	vld [tilespmem:s0+$0xFFFFFFE0];
	v15 =	vadd.f32 v63, v61  }
.LBB2_54:
0x312: {  	p0 =	sne.s32 s1, $0x1C7;
	v23 =	vld [tilespmem:s0+$0xFFFFFFF0];
	v9 =	vadd.f32 v21, v9  }
0x313: {  	v21 =	vld [tilespmem:s0+$0x0];
	v16 =	vmul.f32 v16, v7;
	v8 =	vadd.f32 v22, v8;
	v22 =	vmov v7  }
0x314: {  	v17 =	vmul.f32 v17, v22;
	v24 =	vld [tilespmem:s0+$0x10]  }
0x315: {  	v18 =	vmul.f32 v18, v22;
	v25 =	vld [tilespmem:s0+$0x20];
	v10 =	vadd.f32 v16, v10  }
.Ltmp40:
0x316: {  	s0 =	sadd.s32 $0x80, s0;
	v7 =	vld.idx.msk [tilespmem:v20+s17+$0x0], $0xffff;
	v12 =	vadd.f32 v17, v12;
	v19 =	vmul.f32 v19, v22;
	(pc) =	sbr.rel @p0 .LBB2_54-.Ltmp40, $4  }
0x317: {  	v16 =	vld [tilespmem:s0+$0x30];
	v11 =	vadd.f32 v18, v11;
	v20 =	vmul.f32 v23, v22  }
0x318: {  	v17 =	vld [tilespmem:s0+$0xFFFFFFC0];
	v14 =	vadd.f32 v19, v14;
	v23 =	vmul.f32 v21, v22  }
0x319: {  	v18 =	vld [tilespmem:s0+$0xFFFFFFD0];
	v13 =	vadd.f32 v20, v13;
	v21 =	vmul.f32 v24, v22  }
0x31a: {  	v20 =	vmov s1;
	s1 =	sadd.s32 $0x1, s1;
	v19 =	vld [tilespmem:s0+$0xFFFFFFE0];
	v15 =	vadd.f32 v23, v15;
	v22 =	vmul.f32 v25, v22  }
0x31b: {  	v23 =	vld [tilespmem:s0+$0xFFFFFFF0]  }
0x31c: {  	v24 =	vld [tilespmem:s0+$0x0]  }
0x31d: {  	v25 =	vld [tilespmem:s0+$0x10]  }
0x31e: {  	v26 =	vld [tilespmem:s0+$0x20]  }
0x31f: {  	v20 =	vld.idx.msk [tilespmem:v20+s17+$0x0], $0xffff;
	s29 =	sadd.s32 $0x80, s0  }
0x320: {  	v27 =	vld [tilespmem:s29+$0xFFFFFFC0]  }
0x321: {  	v45 =	vld [tilespmem:s29+$0xFFFFFFD0]  }
0x322: {  	v46 =	vld [tilespmem:s29+$0xFFFFFFE0]  }
0x323: {  	v9 =	vadd.f32 v21, v9;
	v16 =	vmul.f32 v16, v7;
	v48 =	vld [tilespmem:s29+$0xFFFFFFF0];
	v17 =	vmul.f32 v17, v7  }
0x324: {  	v8 =	vadd.f32 v22, v8;
	v50 =	vld [tilespmem:s29+$0x0];
	v18 =	vmul.f32 v18, v7;
	v19 =	vmul.f32 v19, v7  }
0x325: {  	v53 =	vld [tilespmem:s29+$0x10];
	v10 =	vadd.f32 v16, v10;
	v47 =	vmul.f32 v23, v7;
	v49 =	vmul.f32 v24, v7  }
0x326: {  	v12 =	vadd.f32 v17, v12;
	v51 =	vmul.f32 v25, v7;
	v7 =	vmul.f32 v26, v7  }
0x327: {  	v11 =	vadd.f32 v18, v11;
	v52 =	vmul.f32 v27, v20;
	v54 =	vmul.f32 v45, v20  }
0x328: {  	v55 =	vld [tilespmem:s29+$0x20];
	v14 =	vadd.f32 v19, v14;
	v22 =	vmul.f32 v46, v20;
	v57 =	vmul.f32 v48, v20  }
0x329: {  	v56 =	vld [tilespmem:s29+$0x30];
	v58 =	vmul.f32 v50, v20;
	v13 =	vadd.f32 v47, v13;
	v12 =	vadd.f32 v52, v12  }
0x32a: {  	v59 =	vmul.f32 v53, v20;
	v7 =	vadd.f32 v7, v8;
	v8 =	vadd.f32 v54, v11  }
0x32b: {  	v15 =	vadd.f32 v49, v15;
	v14 =	vadd.f32 v22, v14;
	v12 =	vmul.f32 $4.999999890e-03, v12  }
0x32c: {  	_ =	strace $0x90000058;
	v9 =	vadd.f32 v51, v9;
	v11 =	vadd.f32 v57, v13;
	v8 =	vmul.f32 $4.999999890e-03, v8  }
0x32d: {  	_ =	strace $0x80000059;
	v60 =	vmul.f32 v55, v20;
	v15 =	vadd.f32 v58, v15;
	v61 =	vmul.f32 $4.999999890e-03, v14;
	[tilespmem:$0x1FD80] =	vst v12  }
0x32e: {  	v62 =	vmul.f32 v56, v20;
	v9 =	vadd.f32 v59, v9;
	[tilespmem:$0x1FD90] =	vst v8;
	v8 =	vmul.f32 $4.999999890e-03, v11  }
0x32f: {  	v7 =	vadd.f32 v60, v7;
	v63 =	vmul.f32 $4.999999890e-03, v15;
	[tilespmem:$0x1FDA0] =	vst v61  }
0x330: {  	v10 =	vadd.f32 v62, v10;
	[tilespmem:$0x1FDB0] =	vst v8;
	v8 =	vmul.f32 $4.999999890e-03, v9  }
0x331: {  	v7 =	vmul.f32 $4.999999890e-03, v7;
	[tilespmem:$0x1FDC0] =	vst v63  }
0x332: {  	[tilespmem:$0x1FDD0] =	vst v8;
	v8 =	vmul.f32 $4.999999890e-03, v10  }
0x333: {  	[tilespmem:$0x1FDE0] =	vst v7  }
0x334: {  	s30 =	rddreg [dreg:$0x5];
	[tilespmem:$0x1FDF0] =	vst v8  }
0x335: {  	[hbm4b:s30+s4] =	stream.linear.scatter [tilespmem:s23], [sflag:$0x4], $0x80, $0x200038;
	[tilespmem:$0x1FE00] =	vst v63  }
0x336: {  	_ =	swait.ge [sflag:s24], $0x80  }
0x337: {  	[sflag:s24] =	ssyncset.done $0x0  }
0x338: {  	[sflag:s24] =	ssyncadd.s32 $0xFFFFFF80  }
0x339: {  	_ =	strace $0x90000059  }
0x33a: {  	_ =	swait.ge [sflag:s14], $0x18700  }
0x33b: {  	s25 =	sadd.s32 $0x1, s25;
	s31 =	rddreg [dreg:$0x6]  }
0x33c: {  	p0 =	sne.s32 s25, s31  }
.Ltmp41:
0x33d: {  	_ = 	snop;
	(pc) =	sbr.rel @p0 .LBB2_1-.Ltmp41, $3  }
0x33e: {  	_ =	sdelay $0x1  }
0x33f: {  	[sflag:s14] =	ssyncset.done $0x0  }
0x340: {  	[sflag:s14] =	ssyncadd.s32 $0xFFFE7900  }
0x341: {  	_ =	sfence.sel $0x180000  }
0x342: {  	[bflag:$0x0] =	sbarrier.arrive $0xFFFF  }
0x343: {  	_ =	strace $0x90000047  }
0x344: {  	s0 =	stileid.u32;
	[bflag:$0x2] =	sbarrier.arrive $0xFFFF  }
0x345: {  	p0 =	sne.s32 s0, $0x0;
	s0 =	rddreg [dreg:$0x3]  }
0x346: {  	s0 =	sadd.s32 @!p0 $0x100000, s0  }
0x347: {  	[sflag:s0] =	ssyncadd.tile.s32 @!p0 $0x1;
	_ =	shalt  }
.Lfunc_end2:
_tile_overlayer_lowered:
.L_overlay_start_2:
0x348: {  	(tag) =	ssettag $0x2  }
0x349: {  	s0 =	rddreg [dreg:$0x0];
	s2 =	stileid.u32  }
0x34a: {  	s1 =	rddreg [dreg:$0x1];
	p0 =	sne.s32 s2, $0x0  }
0x34b: {  	s3 =	rddreg [dreg:$0x2];
	[bflag:$0x3] =	sbarrier.arrive $0xFFFF;
	s2 =	simm.s32 @!p0 $0x1C04  }
0x34c: {  	[timem:s3], [sflag:s2] =	dma.local @!p0 [hbm:s0], s1  }
0x34d: {  	s0 =	simm.s32 @!p0 $0x4  }
0x34e: {  	_ =	swait.ge @!p0 [sflag:s0], s1  }
0x34f: {  	s1 =	ssub.s32 @!p0 $0x0, s1;
	[sflag:s0] =	ssyncset.done @!p0 $0x0  }
0x350: {  	[sflag:s0] =	ssyncadd.s32 @!p0 s1  }
0x351: {  	[bflag:$0x3] =	sbarrier.arrive $0xFFFF  }
0x352: {  	_ =	shalt  }

</sc_bundles>
